<compile_context>
chip_gen: v7x
topology: tpu7x:2x2x1
jax: 0.10.2.dev20260603
libtpu: 0.0.44.dev20260713+nightly
codegen_flags: <defaults>
</compile_context>

<pallas_src>
import jax
import jax.numpy as jnp
from jax import lax
from jax.experimental import pallas as pl
from jax.experimental.pallas import tpu as pltpu
from jax.experimental.pallas import tpu_sc as plsc

B, C, H, W = 4, 96, 224, 224
HW = H * W
NW = 32
TILES_PER_B = NW // B
PXT = HW // TILES_PER_B
NPASS = 6
AW = W + 2
ACC_N = 51336
CHUNK = 1792
NCHUNK = HW // CHUNK
VPC = CHUNK // 16


def _grid_kernel(x_hbm, ig0_hbm, ig1_hbm,
                 out_hbm, tidx_hbm, twi_hbm, twj_hbm,
                 acc0, acc1,
                 bufa, bufb, sem0, sem1, semo):
    _F1 = jnp.float32(1.0)
    _FH = jnp.float32(0.5)
    cid = lax.axis_index("c")
    sid = lax.axis_index("s")
    wid = cid * 16 + sid
    b = wid // TILES_PER_B
    ch0 = wid % TILES_PER_B

    pxbase = b * HW + ch0 * PXT

    ACHUNK = 1568

    def phasea_chunk(ca, _c):
        astart = pxbase + ca * ACHUNK
        pltpu.sync_copy(ig0_hbm.at[pl.ds(astart, ACHUNK)],
                        bufa.at[pl.ds(0, ACHUNK)])
        pltpu.sync_copy(ig1_hbm.at[pl.ds(astart, ACHUNK)],
                        bufa.at[pl.ds(ACHUNK, ACHUNK)])

        def vreg_body(v, _z):
            off = v * 16
            v0 = bufa[pl.ds(off, 16)]
            v1 = bufa[pl.ds(ACHUNK + off, 16)]
            gi = (v0 + _F1) * _FH * jnp.float32(H) + _F1
            gi = jnp.minimum(jnp.maximum(gi, jnp.float32(0.0)),
                             jnp.float32(H + 1))
            gj = (v1 + _F1) * _FH * jnp.float32(W) + _F1
            gj = jnp.minimum(jnp.maximum(gj, jnp.float32(0.0)),
                             jnp.float32(W + 1))
            li = gi.astype(jnp.int32)
            lj = gj.astype(jnp.int32)
            lif = li.astype(jnp.float32)
            ljf = lj.astype(jnp.float32)
            bufa[pl.ds(3 * ACHUNK + off, 16)] = _F1 - (gi - lif)
            bufa[pl.ds(4 * ACHUNK + off, 16)] = _F1 - (gj - ljf)
            idx_f = plsc.bitcast(li * AW + lj, jnp.float32)
            bufa[pl.ds(2 * ACHUNK + off, 16)] = idx_f
            return 0

        lax.fori_loop(0, ACHUNK // 16, vreg_body, 0)
        pltpu.sync_copy(bufa.at[pl.ds(2 * ACHUNK, ACHUNK)],
                        tidx_hbm.at[pl.ds(astart, ACHUNK)])
        pltpu.sync_copy(bufa.at[pl.ds(3 * ACHUNK, ACHUNK)],
                        twi_hbm.at[pl.ds(astart, ACHUNK)])
        pltpu.sync_copy(bufa.at[pl.ds(4 * ACHUNK, ACHUNK)],
                        twj_hbm.at[pl.ds(astart, ACHUNK)])
        return 0

    lax.fori_loop(0, PXT // ACHUNK, phasea_chunk, 0)
    plsc.subcore_barrier()

    slots = ((bufa, sem0), (bufb, sem1))

    def issue(cidx, bchA, bchB, slot):
        buf, sem = slot
        start = cidx * CHUNK
        gstart = b * HW + start
        pltpu.async_copy(tidx_hbm.at[pl.ds(gstart, CHUNK)],
                         buf.at[pl.ds(0, CHUNK)], sem)
        pltpu.async_copy(twi_hbm.at[pl.ds(gstart, CHUNK)],
                         buf.at[pl.ds(CHUNK, CHUNK)], sem)
        pltpu.async_copy(twj_hbm.at[pl.ds(gstart, CHUNK)],
                         buf.at[pl.ds(2 * CHUNK, CHUNK)], sem)
        pltpu.async_copy(x_hbm.at[pl.ds(bchA * HW + start, CHUNK)],
                         buf.at[pl.ds(3 * CHUNK, CHUNK)], sem)
        pltpu.async_copy(x_hbm.at[pl.ds(bchB * HW + start, CHUNK)],
                         buf.at[pl.ds(4 * CHUNK, CHUNK)], sem)

    def drain(slot):
        buf, sem = slot
        for q in range(5):
            pltpu.make_async_copy(tidx_hbm.at[pl.ds(0, CHUNK)],
                                  buf.at[pl.ds(q * CHUNK, CHUNK)], sem).wait()

    def compute(slot):
        buf, _ = slot

        @plsc.parallel_loop(0, VPC // 2, unroll=1)
        def vreg_body(v):
            for u in range(2):
                off = v * 32 + u * 16
                idx00 = plsc.bitcast(buf[pl.ds(off, 16)], jnp.int32)
                wi0 = buf[pl.ds(CHUNK + off, 16)]
                wj0 = buf[pl.ds(2 * CHUNK + off, 16)]
                xA = buf[pl.ds(3 * CHUNK + off, 16)]
                xB = buf[pl.ds(4 * CHUNK + off, 16)]
                wi1 = _F1 - wi0
                wj1 = _F1 - wj0
                idx01 = idx00 + 1
                idx10 = idx00 + AW
                idx11 = idx00 + (AW + 1)
                w00 = wi0 * wj0
                w01 = wi0 * wj1
                w10 = wi1 * wj0
                w11 = wi1 * wj1
                plsc.addupdate_scatter(acc0, [idx00], xA * w00)
                plsc.addupdate_scatter(acc0, [idx01], xA * w01)
                plsc.addupdate_scatter(acc0, [idx10], xA * w10)
                plsc.addupdate_scatter(acc0, [idx11], xA * w11)
                plsc.addupdate_scatter(acc1, [idx00], xB * w00)
                plsc.addupdate_scatter(acc1, [idx01], xB * w01)
                plsc.addupdate_scatter(acc1, [idx10], xB * w10)
                plsc.addupdate_scatter(acc1, [idx11], xB * w11)

    def drain_out(bchA, bchB):
        pltpu.make_async_copy(acc0.at[pl.ds(0, HW)],
                              out_hbm.at[pl.ds(bchA * HW, HW)], semo).wait()
        pltpu.make_async_copy(acc1.at[pl.ds(0, HW)],
                              out_hbm.at[pl.ds(bchB * HW, HW)], semo).wait()

    def pass_body(k, _c):
        bchA = b * C + ch0 + 16 * k
        bchB = bchA + 8

        @pl.when(k > 0)
        def _():
            drain_out(bchA, bchB)

        issue(0, bchA, bchB, slots[0])

        zeros = jnp.zeros((16,), jnp.float32)

        def zero_body(i, _z):
            base = i * 64
            for q in range(4):
                acc0[pl.ds(base + 16 * q, 16)] = zeros
                acc1[pl.ds(base + 16 * q, 16)] = zeros
            return 0

        lax.fori_loop(0, 51328 // 64, zero_body, 0)

        def chunk_body(c2, _z):
            c = c2 * 2
            drain(slots[0])
            issue(c + 1, bchA, bchB, slots[1])
            compute(slots[0])
            drain(slots[1])

            @pl.when(c2 < NCHUNK // 2 - 1)
            def _():
                issue(c + 2, bchA, bchB, slots[0])

            compute(slots[1])
            return 0

        lax.fori_loop(0, NCHUNK // 2, chunk_body, 0)

        def compact_body(r, _z):
            rbase = (r + 1) * AW + 1
            wbase = r * W
            for j in range(W // 16):
                acc0[pl.ds(wbase + 16 * j, 16)] = acc0[pl.ds(rbase + 16 * j, 16)]
                acc1[pl.ds(wbase + 16 * j, 16)] = acc1[pl.ds(rbase + 16 * j, 16)]
            return 0

        lax.fori_loop(0, H, compact_body, 0)

        pltpu.async_copy(acc0.at[pl.ds(0, HW)],
                         out_hbm.at[pl.ds(bchA * HW, HW)], semo)
        pltpu.async_copy(acc1.at[pl.ds(0, HW)],
                         out_hbm.at[pl.ds(bchB * HW, HW)], semo)
        return 0

    lax.fori_loop(0, NPASS, pass_body, 0)
    drain_out(b * C + ch0 + 16 * (NPASS - 1), b * C + ch0 + 16 * (NPASS - 1) + 8)


@jax.jit
def kernel(x, inv_grid):
    x1d = x.reshape(B * C * HW)
    ig0 = inv_grid[..., 0].reshape(B * HW)
    ig1 = inv_grid[..., 1].reshape(B * HW)
    mesh = plsc.VectorSubcoreMesh(core_axis_name="c", subcore_axis_name="s")
    out, _, _, _ = pl.kernel(
        _grid_kernel,
        out_type=(
            jax.ShapeDtypeStruct((B * C * HW,), jnp.float32),
            jax.ShapeDtypeStruct((B * HW,), jnp.float32),
            jax.ShapeDtypeStruct((B * HW,), jnp.float32),
            jax.ShapeDtypeStruct((B * HW,), jnp.float32),
        ),
        mesh=mesh,
        compiler_params=pltpu.CompilerParams(needs_layout_passes=False),
        scratch_types=[
            pltpu.VMEM((ACC_N,), jnp.float32),
            pltpu.VMEM((ACC_N,), jnp.float32),
            pltpu.VMEM((5 * CHUNK,), jnp.float32),
            pltpu.VMEM((5 * CHUNK,), jnp.float32),
            pltpu.SemaphoreType.DMA,
            pltpu.SemaphoreType.DMA,
            pltpu.SemaphoreType.DMA,
        ],
    )(x1d, ig0, ig1)
    return out.reshape(B, C, H, W)

# --- scband reference (transcript-rebuilt; emitter-appended) ---
"""Pipeline reference for scband-inv-grid-sampler-numerator-1580547968540 (READ-ONLY COPY).

The authoritative reference and input builder live on the scoring server;
editing this copy changes nothing except your own understanding.
"""

import jax, jax.numpy as jnp
import numpy as np


def setup_inputs(seed: int = 0) -> dict:
    key = jax.random.key(seed)
    k1, k2 = jax.random.split(key)
    x = jax.random.normal(k1, (4, 96, 224, 224), dtype=jnp.float32)
    inv_grid = jax.random.uniform(k2, (4, 224, 224, 2), dtype=jnp.float32)
    return {"x": x, "inv_grid": inv_grid}


def reference(x, inv_grid):
    eps = 1e-10
    B, C, H, W = x.shape
    h, w = H, W  # OH = OW = None -> output spatial dims equal input dims
    g = (inv_grid + 1.0) / 2.0
    gi = jnp.clip(g[..., 0] * h + 1.0, 0.0, h + 1 - 2 * eps)
    gj = jnp.clip(g[..., 1] * w + 1.0, 0.0, w + 1 - 2 * eps)
    gf = jnp.stack([gi, gj], axis=-1)  # [B, H, W, 2]
    # repeat over channels like inv_grid[:, None].repeat(1, C, 1, 1, 1)
    gf = jnp.broadcast_to(gf[:, None], (B, C, H, W, 2)).reshape(-1, 2)
    gl = gf.astype(jnp.int32)  # values are >= 0 so trunc == floor == torch .long()
    bb, cc, _, _ = jnp.meshgrid(jnp.arange(B, dtype=jnp.int32), jnp.arange(C, dtype=jnp.int32), jnp.arange(H, dtype=jnp.int32), jnp.arange(W, dtype=jnp.int32), indexing='ij')
    inds_b = bb.reshape(-1)
    inds_ch = cc.reshape(-1)
    base = inds_b * C + inds_ch
    xflat = x.reshape(-1)
    Aflat = jnp.zeros(B * C * (h + 3) * (w + 3), dtype=x.dtype)
    for di in range(2):
        oi = gl[:, 0] + di
        wi = jax.nn.relu(1.0 - jnp.abs(gf[:, 0] - oi.astype(jnp.float32)))
        for dj in range(2):
            oj = gl[:, 1] + dj
            wgt = wi * jax.nn.relu(1.0 - jnp.abs(gf[:, 1] - oj.astype(jnp.float32)))
            ravel = (base * (h + 3) + oi) * (w + 3) + oj
            Aflat = Aflat.at[ravel].add(xflat * wgt)
    A = Aflat.reshape(B, C, h + 3, w + 3)
    return A[..., 1:h + 1, 1:w + 1]

if __name__ == "__main__":
    import jax
    _d = setup_inputs()
    print(jax.jit(kernel)(*tuple(_d.values())))

</pallas_src>

<mosaic_0001>
#map = affine_map<(d0, d1) -> (0)>
module attributes {stable_mosaic.version = 14 : i64} {
  func.func @_grid_kernel(%arg0: i32, %arg1: i32, %arg2: memref<19267584xf32, #tpu.memory_space<hbm>>, %arg3: memref<200704xf32, #tpu.memory_space<hbm>>, %arg4: memref<200704xf32, #tpu.memory_space<hbm>>, %arg5: memref<19267584xf32, #tpu.memory_space<hbm>>, %arg6: memref<200704xf32, #tpu.memory_space<hbm>>, %arg7: memref<200704xf32, #tpu.memory_space<hbm>>, %arg8: memref<200704xf32, #tpu.memory_space<hbm>>, %arg9: memref<51336xf32, #tpu.memory_space<vmem>>, %arg10: memref<51336xf32, #tpu.memory_space<vmem>>, %arg11: memref<8960xf32, #tpu.memory_space<vmem>>, %arg12: memref<8960xf32, #tpu.memory_space<vmem>>, %arg13: memref<!tpu.dma_semaphore, #tpu.memory_space<semaphore_mem>>, %arg14: memref<!tpu.dma_semaphore, #tpu.memory_space<semaphore_mem>>, %arg15: memref<!tpu.dma_semaphore, #tpu.memory_space<semaphore_mem>>) attributes {dimension_semantics = [#tpu.dimension_semantics<core_parallel>, #tpu.dimension_semantics<subcore_parallel>], iteration_bounds = array<i64: 2, 16>, scalar_prefetch = 0 : i64, scratch_operands = 7 : i64, tpu.core_type = #tpu.core_type<sc_vector_subcore>, window_params = [{transform_indices = #map}, {transform_indices = #map}, {transform_indices = #map}, {transform_indices = #map}, {transform_indices = #map}, {transform_indices = #map}, {transform_indices = #map}]} {
    %mul3A = arith.constant 16 : i32
    %mul3A_0 = arith.muli %arg0, %mul3A : i32
    %add3A = arith.addi %mul3A_0, %arg1 : i32
    %jit3A = arith.constant 8 : i32
    %div3A = arith.divsi %add3A, %jit3A : i32
    %sign3A = arith.constant 0 : i32
    %sign3A_1 = arith.cmpi sgt, %add3A, %sign3A : i32
    %sign3A_2 = arith.extui %sign3A_1 : i1 to i32
    %sign3A_3 = arith.constant 0 : i32
    %sign3A_4 = arith.cmpi slt, %add3A, %sign3A_3 : i32
    %sign3A_5 = arith.extui %sign3A_4 : i1 to i32
    %sign3A_6 = arith.subi %sign3A_2, %sign3A_5 : i32
    %sign3A_7 = arith.constant 0 : i32
    %sign3A_8 = arith.cmpi sgt, %jit3A, %sign3A_7 : i32
    %sign3A_9 = arith.extui %sign3A_8 : i1 to i32
    %sign3A_10 = arith.constant 0 : i32
    %sign3A_11 = arith.cmpi slt, %jit3A, %sign3A_10 : i32
    %sign3A_12 = arith.extui %sign3A_11 : i1 to i32
    %sign3A_13 = arith.subi %sign3A_9, %sign3A_12 : i32
    %ne3A = arith.cmpi ne, %sign3A_6, %sign3A_13 : i32
    %rem3A = arith.remsi %add3A, %jit3A : i32
    %ne3A_14 = arith.constant 0 : i32
    %ne3A_15 = arith.cmpi ne, %rem3A, %ne3A_14 : i32
    %and3A = arith.andi %ne3A, %ne3A_15 : i1
    %sub3A = arith.constant 1 : i32
    %sub3A_16 = arith.subi %div3A, %sub3A : i32
    %select_n3A = arith.select %and3A, %sub3A_16, %div3A : i32
    %jit3A_17 = arith.constant 8 : i32
    %eq3A = arith.constant 0 : i32
    %eq3A_18 = arith.cmpi eq, %jit3A_17, %eq3A : i32
    %jit3A_19 = arith.constant 1 : i32
    %select_n3A_20 = arith.select %eq3A_18, %jit3A_19, %jit3A_17 : i32
    %rem3A_21 = arith.remsi %add3A, %select_n3A_20 : i32
    %ne3A_22 = arith.constant 0 : i32
    %ne3A_23 = arith.cmpi ne, %rem3A_21, %ne3A_22 : i32
    %lt3A = arith.constant 0 : i32
    %lt3A_24 = arith.cmpi slt, %rem3A_21, %lt3A : i32
    %lt3A_25 = arith.constant 0 : i32
    %lt3A_26 = arith.cmpi slt, %select_n3A_20, %lt3A_25 : i32
    %ne3A_27 = arith.xori %lt3A_24, %lt3A_26 : i1
    %and3A_28 = arith.andi %ne3A_27, %ne3A_23 : i1
    %add3A_29 = arith.addi %rem3A_21, %select_n3A_20 : i32
    %select_n3A_30 = arith.select %and3A_28, %add3A_29, %rem3A_21 : i32
    %mul3A_31 = arith.constant 50176 : i32
    %mul3A_32 = arith.muli %select_n3A, %mul3A_31 : i32
    %mul3A_33 = arith.constant 6272 : i32
    %mul3A_34 = arith.muli %select_n3A_30, %mul3A_33 : i32
    %add3A_35 = arith.addi %mul3A_32, %mul3A_34 : i32
    %scan3A = arith.constant 1.000000e+00 : f32
    %scan3A_36 = arith.constant 5.000000e-01 : f32
    %scan3A_37 = arith.constant 0 : i32
    %scan3A_38 = arith.constant 0 : i32
    %scan3A_39 = arith.constant 4 : i32
    %scan3A_40 = arith.addi %scan3A_38, %scan3A_39 : i32
    %scan3A_41 = arith.constant 1 : i32
    %scan3A_42 = scf.for %scan3A_79 = %scan3A_38 to %scan3A_40 step %scan3A_41 iter_args(%scan3A_80 = %scan3A_37) -> (i32)  : i32 {
      %mul3A_81 = arith.constant 1568 : i32
      %mul3A_82 = arith.muli %scan3A_79, %mul3A_81 : i32
      %add3A_83 = arith.addi %add3A_35, %mul3A_82 : i32
      "tpu.region"() ({
        %run_scoped3A = tpu.sem_alloc : memref<!tpu.dma_semaphore, #tpu.memory_space<semaphore_mem>>
        %dma_start3A = arith.constant 0 : i32
        %dma_start3A_92 = tpu.memref_slice %arg11[%dma_start3A] : memref<8960xf32, #tpu.memory_space<vmem>> -> memref<1568xf32, #tpu.memory_space<vmem>>
        %dma_start3A_93 = tpu.memref_slice %arg3[%add3A_83] : memref<200704xf32, #tpu.memory_space<hbm>> -> memref<1568xf32, #tpu.memory_space<hbm>>
        %dma_start3A_94 = arith.constant 0 : i32
        %dma_start3A_95 = tpu.memref_slice %arg11[%dma_start3A_94] : memref<8960xf32, #tpu.memory_space<vmem>> -> memref<1568xf32, #tpu.memory_space<vmem>>
        %dma_start3A_96 = tpu.memref_slice %arg3[%add3A_83] : memref<200704xf32, #tpu.memory_space<hbm>> -> memref<1568xf32, #tpu.memory_space<hbm>>
        tpu.enqueue_dma source(%dma_start3A_96 : memref<1568xf32, #tpu.memory_space<hbm>>) target(%dma_start3A_95 : memref<1568xf32, #tpu.memory_space<vmem>>) target_semaphore(%run_scoped3A : memref<!tpu.dma_semaphore, #tpu.memory_space<semaphore_mem>>)
        %dma_wait3A_97 = arith.constant 0 : i32
        %dma_wait3A_98 = tpu.memref_slice %arg11[%dma_wait3A_97] : memref<8960xf32, #tpu.memory_space<vmem>> -> memref<1568xf32, #tpu.memory_space<vmem>>
        %dma_wait3A_99 = tpu.memref_slice %arg3[%add3A_83] : memref<200704xf32, #tpu.memory_space<hbm>> -> memref<1568xf32, #tpu.memory_space<hbm>>
        %dma_wait3A_100 = arith.constant 0 : i32
        %dma_wait3A_101 = tpu.memref_slice %arg11[%dma_wait3A_100] : memref<8960xf32, #tpu.memory_space<vmem>> -> memref<1568xf32, #tpu.memory_space<vmem>>
        %dma_wait3A_102 = tpu.memref_slice %arg3[%add3A_83] : memref<200704xf32, #tpu.memory_space<hbm>> -> memref<1568xf32, #tpu.memory_space<hbm>>
        tpu.wait_dma2 semaphore(%run_scoped3A : memref<!tpu.dma_semaphore, #tpu.memory_space<semaphore_mem>>) src(%dma_wait3A_102 : memref<1568xf32, #tpu.memory_space<hbm>>) dst(%dma_wait3A_101 : memref<1568xf32, #tpu.memory_space<vmem>>)
        tpu.yield
      }) : () -> ()
      "tpu.region"() ({
        %run_scoped3A = tpu.sem_alloc : memref<!tpu.dma_semaphore, #tpu.memory_space<semaphore_mem>>
        %dma_start3A = arith.constant 1568 : i32
        %dma_start3A_92 = tpu.memref_slice %arg11[%dma_start3A] : memref<8960xf32, #tpu.memory_space<vmem>> -> memref<1568xf32, #tpu.memory_space<vmem>>
        %dma_start3A_93 = tpu.memref_slice %arg4[%add3A_83] : memref<200704xf32, #tpu.memory_space<hbm>> -> memref<1568xf32, #tpu.memory_space<hbm>>
        %dma_start3A_94 = arith.constant 1568 : i32
        %dma_start3A_95 = tpu.memref_slice %arg11[%dma_start3A_94] : memref<8960xf32, #tpu.memory_space<vmem>> -> memref<1568xf32, #tpu.memory_space<vmem>>
        %dma_start3A_96 = tpu.memref_slice %arg4[%add3A_83] : memref<200704xf32, #tpu.memory_space<hbm>> -> memref<1568xf32, #tpu.memory_space<hbm>>
        tpu.enqueue_dma source(%dma_start3A_96 : memref<1568xf32, #tpu.memory_space<hbm>>) target(%dma_start3A_95 : memref<1568xf32, #tpu.memory_space<vmem>>) target_semaphore(%run_scoped3A : memref<!tpu.dma_semaphore, #tpu.memory_space<semaphore_mem>>)
        %dma_wait3A_97 = arith.constant 1568 : i32
        %dma_wait3A_98 = tpu.memref_slice %arg11[%dma_wait3A_97] : memref<8960xf32, #tpu.memory_space<vmem>> -> memref<1568xf32, #tpu.memory_space<vmem>>
        %dma_wait3A_99 = tpu.memref_slice %arg4[%add3A_83] : memref<200704xf32, #tpu.memory_space<hbm>> -> memref<1568xf32, #tpu.memory_space<hbm>>
        %dma_wait3A_100 = arith.constant 1568 : i32
        %dma_wait3A_101 = tpu.memref_slice %arg11[%dma_wait3A_100] : memref<8960xf32, #tpu.memory_space<vmem>> -> memref<1568xf32, #tpu.memory_space<vmem>>
        %dma_wait3A_102 = tpu.memref_slice %arg4[%add3A_83] : memref<200704xf32, #tpu.memory_space<hbm>> -> memref<1568xf32, #tpu.memory_space<hbm>>
        tpu.wait_dma2 semaphore(%run_scoped3A : memref<!tpu.dma_semaphore, #tpu.memory_space<semaphore_mem>>) src(%dma_wait3A_102 : memref<1568xf32, #tpu.memory_space<hbm>>) dst(%dma_wait3A_101 : memref<1568xf32, #tpu.memory_space<vmem>>)
        tpu.yield
      }) : () -> ()
      %scan3A_84 = arith.constant 0 : i32
      %scan3A_85 = arith.constant 0 : i32
      %scan3A_86 = arith.constant 98 : i32
      %scan3A_87 = arith.addi %scan3A_85, %scan3A_86 : i32
      %scan3A_88 = arith.constant 1 : i32
      %scan3A_89 = scf.for %scan3A_92 = %scan3A_85 to %scan3A_87 step %scan3A_88 iter_args(%scan3A_93 = %scan3A_84) -> (i32)  : i32 {
        %mul3A_94 = arith.constant 16 : i32
        %mul3A_95 = arith.muli %scan3A_92, %mul3A_94 : i32
        %get3A = arith.index_cast %mul3A_95 : i32 to index
        %get3A_96 = tpu.vector_load %arg11[%get3A] {strides = array<i32>} : memref<8960xf32, #tpu.memory_space<vmem>>, vector<16xf32>,
        %add3A_97 = arith.constant 1568 : i32
        %add3A_98 = arith.addi %add3A_97, %mul3A_95 : i32
        %get3A_99 = arith.index_cast %add3A_98 : i32 to index
        %get3A_100 = tpu.vector_load %arg11[%get3A_99] {strides = array<i32>} : memref<8960xf32, #tpu.memory_space<vmem>>, vector<16xf32>,
        %add3A_101 = vector.broadcast %scan3A : f32 to vector<16xf32>
        %add3A_102 = arith.addf %get3A_96, %add3A_101 : vector<16xf32>
        %mul3A_103 = vector.broadcast %scan3A_36 : f32 to vector<16xf32>
        %mul3A_104 = arith.mulf %add3A_102, %mul3A_103 : vector<16xf32>
        %mul3A_105 = arith.constant 2.240000e+02 : f32
        %mul3A_106 = vector.broadcast %mul3A_105 : f32 to vector<16xf32>
        %mul3A_107 = arith.mulf %mul3A_104, %mul3A_106 : vector<16xf32>
        %add3A_108 = vector.broadcast %scan3A : f32 to vector<16xf32>
        %add3A_109 = arith.addf %mul3A_107, %add3A_108 : vector<16xf32>
        %max3A = arith.constant 0.000000e+00 : f32
        %max3A_110 = vector.broadcast %max3A : f32 to vector<16xf32>
        %max3A_111 = arith.maximumf %add3A_109, %max3A_110 : vector<16xf32>
        %min3A = arith.constant 2.250000e+02 : f32
        %min3A_112 = vector.broadcast %min3A : f32 to vector<16xf32>
        %min3A_113 = arith.minimumf %max3A_111, %min3A_112 : vector<16xf32>
        %add3A_114 = vector.broadcast %scan3A : f32 to vector<16xf32>
        %add3A_115 = arith.addf %get3A_100, %add3A_114 : vector<16xf32>
        %mul3A_116 = vector.broadcast %scan3A_36 : f32 to vector<16xf32>
        %mul3A_117 = arith.mulf %add3A_115, %mul3A_116 : vector<16xf32>
        %mul3A_118 = arith.constant 2.240000e+02 : f32
        %mul3A_119 = vector.broadcast %mul3A_118 : f32 to vector<16xf32>
        %mul3A_120 = arith.mulf %mul3A_117, %mul3A_119 : vector<16xf32>
        %add3A_121 = vector.broadcast %scan3A : f32 to vector<16xf32>
        %add3A_122 = arith.addf %mul3A_120, %add3A_121 : vector<16xf32>
        %max3A_123 = arith.constant 0.000000e+00 : f32
        %max3A_124 = vector.broadcast %max3A_123 : f32 to vector<16xf32>
        %max3A_125 = arith.maximumf %add3A_122, %max3A_124 : vector<16xf32>
        %min3A_126 = arith.constant 2.250000e+02 : f32
        %min3A_127 = vector.broadcast %min3A_126 : f32 to vector<16xf32>
        %min3A_128 = arith.minimumf %max3A_125, %min3A_127 : vector<16xf32>
        %convert_element_type3A = arith.fptosi %min3A_113 : vector<16xf32> to vector<16xi32>
        %convert_element_type3A_129 = arith.fptosi %min3A_128 : vector<16xf32> to vector<16xi32>
        %convert_element_type3A_130 = arith.sitofp %convert_element_type3A : vector<16xi32> to vector<16xf32>
        %convert_element_type3A_131 = arith.sitofp %convert_element_type3A_129 : vector<16xi32> to vector<16xf32>
        %sub3A_132 = arith.subf %min3A_113, %convert_element_type3A_130 : vector<16xf32>
        %sub3A_133 = vector.broadcast %scan3A : f32 to vector<16xf32>
        %sub3A_134 = arith.subf %sub3A_133, %sub3A_132 : vector<16xf32>
        %add3A_135 = arith.constant 4704 : i32
        %add3A_136 = arith.addi %add3A_135, %mul3A_95 : i32
        %swap3A = arith.index_cast %add3A_136 : i32 to index
        %swap3A_137 = tpu.vector_load %arg11[%swap3A] {strides = array<i32>} : memref<8960xf32, #tpu.memory_space<vmem>>, vector<16xf32>,
        tpu.vector_store %arg11[%swap3A], %sub3A_134 {strides = array<i32>} : memref<8960xf32, #tpu.memory_space<vmem>>, vector<16xf32>,
        %sub3A_138 = arith.subf %min3A_128, %convert_element_type3A_131 : vector<16xf32>
        %sub3A_139 = vector.broadcast %scan3A : f32 to vector<16xf32>
        %sub3A_140 = arith.subf %sub3A_139, %sub3A_138 : vector<16xf32>
        %add3A_141 = arith.constant 6272 : i32
        %add3A_142 = arith.addi %add3A_141, %mul3A_95 : i32
        %swap3A_143 = arith.index_cast %add3A_142 : i32 to index
        %swap3A_144 = tpu.vector_load %arg11[%swap3A_143] {strides = array<i32>} : memref<8960xf32, #tpu.memory_space<vmem>>, vector<16xf32>,
        tpu.vector_store %arg11[%swap3A_143], %sub3A_140 {strides = array<i32>} : memref<8960xf32, #tpu.memory_space<vmem>>, vector<16xf32>,
        %mul3A_145 = arith.constant 226 : i32
        %mul3A_146 = vector.broadcast %mul3A_145 : i32 to vector<16xi32>
        %mul3A_147 = arith.muli %convert_element_type3A, %mul3A_146 : vector<16xi32>
        %add3A_148 = arith.addi %mul3A_147, %convert_element_type3A_129 : vector<16xi32>
        %bitcast3A = vector.bitcast %add3A_148 : vector<16xi32> to vector<16xf32>
        %add3A_149 = arith.constant 3136 : i32
        %add3A_150 = arith.addi %add3A_149, %mul3A_95 : i32
        %swap3A_151 = arith.index_cast %add3A_150 : i32 to index
        %swap3A_152 = tpu.vector_load %arg11[%swap3A_151] {strides = array<i32>} : memref<8960xf32, #tpu.memory_space<vmem>>, vector<16xf32>,
        tpu.vector_store %arg11[%swap3A_151], %bitcast3A {strides = array<i32>} : memref<8960xf32, #tpu.memory_space<vmem>>, vector<16xf32>,
        %scan3A_153 = arith.constant 0 : i32
        scf.yield %scan3A_153 : i32
      }
      %scan3A_90 = arith.constant 98 : i32
      "tpu.region"() ({
        %run_scoped3A = tpu.sem_alloc : memref<!tpu.dma_semaphore, #tpu.memory_space<semaphore_mem>>
        %dma_start3A = arith.constant 3136 : i32
        %dma_start3A_92 = tpu.memref_slice %arg11[%dma_start3A] : memref<8960xf32, #tpu.memory_space<vmem>> -> memref<1568xf32, #tpu.memory_space<vmem>>
        %dma_start3A_93 = tpu.memref_slice %arg6[%add3A_83] : memref<200704xf32, #tpu.memory_space<hbm>> -> memref<1568xf32, #tpu.memory_space<hbm>>
        %dma_start3A_94 = tpu.memref_slice %arg6[%add3A_83] : memref<200704xf32, #tpu.memory_space<hbm>> -> memref<1568xf32, #tpu.memory_space<hbm>>
        %dma_start3A_95 = arith.constant 3136 : i32
        %dma_start3A_96 = tpu.memref_slice %arg11[%dma_start3A_95] : memref<8960xf32, #tpu.memory_space<vmem>> -> memref<1568xf32, #tpu.memory_space<vmem>>
        tpu.enqueue_dma source(%dma_start3A_96 : memref<1568xf32, #tpu.memory_space<vmem>>) target(%dma_start3A_94 : memref<1568xf32, #tpu.memory_space<hbm>>) target_semaphore(%run_scoped3A : memref<!tpu.dma_semaphore, #tpu.memory_space<semaphore_mem>>)
        %dma_wait3A_97 = arith.constant 3136 : i32
        %dma_wait3A_98 = tpu.memref_slice %arg11[%dma_wait3A_97] : memref<8960xf32, #tpu.memory_space<vmem>> -> memref<1568xf32, #tpu.memory_space<vmem>>
        %dma_wait3A_99 = tpu.memref_slice %arg6[%add3A_83] : memref<200704xf32, #tpu.memory_space<hbm>> -> memref<1568xf32, #tpu.memory_space<hbm>>
        %dma_wait3A_100 = tpu.memref_slice %arg6[%add3A_83] : memref<200704xf32, #tpu.memory_space<hbm>> -> memref<1568xf32, #tpu.memory_space<hbm>>
        %dma_wait3A_101 = arith.constant 3136 : i32
        %dma_wait3A_102 = tpu.memref_slice %arg11[%dma_wait3A_101] : memref<8960xf32, #tpu.memory_space<vmem>> -> memref<1568xf32, #tpu.memory_space<vmem>>
        tpu.wait_dma2 semaphore(%run_scoped3A : memref<!tpu.dma_semaphore, #tpu.memory_space<semaphore_mem>>) src(%dma_wait3A_102 : memref<1568xf32, #tpu.memory_space<vmem>>) dst(%dma_wait3A_100 : memref<1568xf32, #tpu.memory_space<hbm>>)
        tpu.yield
      }) : () -> ()
      "tpu.region"() ({
        %run_scoped3A = tpu.sem_alloc : memref<!tpu.dma_semaphore, #tpu.memory_space<semaphore_mem>>
        %dma_start3A = arith.constant 4704 : i32
        %dma_start3A_92 = tpu.memref_slice %arg11[%dma_start3A] : memref<8960xf32, #tpu.memory_space<vmem>> -> memref<1568xf32, #tpu.memory_space<vmem>>
        %dma_start3A_93 = tpu.memref_slice %arg7[%add3A_83] : memref<200704xf32, #tpu.memory_space<hbm>> -> memref<1568xf32, #tpu.memory_space<hbm>>
        %dma_start3A_94 = tpu.memref_slice %arg7[%add3A_83] : memref<200704xf32, #tpu.memory_space<hbm>> -> memref<1568xf32, #tpu.memory_space<hbm>>
        %dma_start3A_95 = arith.constant 4704 : i32
        %dma_start3A_96 = tpu.memref_slice %arg11[%dma_start3A_95] : memref<8960xf32, #tpu.memory_space<vmem>> -> memref<1568xf32, #tpu.memory_space<vmem>>
        tpu.enqueue_dma source(%dma_start3A_96 : memref<1568xf32, #tpu.memory_space<vmem>>) target(%dma_start3A_94 : memref<1568xf32, #tpu.memory_space<hbm>>) target_semaphore(%run_scoped3A : memref<!tpu.dma_semaphore, #tpu.memory_space<semaphore_mem>>)
        %dma_wait3A_97 = arith.constant 4704 : i32
        %dma_wait3A_98 = tpu.memref_slice %arg11[%dma_wait3A_97] : memref<8960xf32, #tpu.memory_space<vmem>> -> memref<1568xf32, #tpu.memory_space<vmem>>
        %dma_wait3A_99 = tpu.memref_slice %arg7[%add3A_83] : memref<200704xf32, #tpu.memory_space<hbm>> -> memref<1568xf32, #tpu.memory_space<hbm>>
        %dma_wait3A_100 = tpu.memref_slice %arg7[%add3A_83] : memref<200704xf32, #tpu.memory_space<hbm>> -> memref<1568xf32, #tpu.memory_space<hbm>>
        %dma_wait3A_101 = arith.constant 4704 : i32
        %dma_wait3A_102 = tpu.memref_slice %arg11[%dma_wait3A_101] : memref<8960xf32, #tpu.memory_space<vmem>> -> memref<1568xf32, #tpu.memory_space<vmem>>
        tpu.wait_dma2 semaphore(%run_scoped3A : memref<!tpu.dma_semaphore, #tpu.memory_space<semaphore_mem>>) src(%dma_wait3A_102 : memref<1568xf32, #tpu.memory_space<vmem>>) dst(%dma_wait3A_100 : memref<1568xf32, #tpu.memory_space<hbm>>)
        tpu.yield
      }) : () -> ()
      "tpu.region"() ({
        %run_scoped3A = tpu.sem_alloc : memref<!tpu.dma_semaphore, #tpu.memory_space<semaphore_mem>>
        %dma_start3A = arith.constant 6272 : i32
        %dma_start3A_92 = tpu.memref_slice %arg11[%dma_start3A] : memref<8960xf32, #tpu.memory_space<vmem>> -> memref<1568xf32, #tpu.memory_space<vmem>>
        %dma_start3A_93 = tpu.memref_slice %arg8[%add3A_83] : memref<200704xf32, #tpu.memory_space<hbm>> -> memref<1568xf32, #tpu.memory_space<hbm>>
        %dma_start3A_94 = tpu.memref_slice %arg8[%add3A_83] : memref<200704xf32, #tpu.memory_space<hbm>> -> memref<1568xf32, #tpu.memory_space<hbm>>
        %dma_start3A_95 = arith.constant 6272 : i32
        %dma_start3A_96 = tpu.memref_slice %arg11[%dma_start3A_95] : memref<8960xf32, #tpu.memory_space<vmem>> -> memref<1568xf32, #tpu.memory_space<vmem>>
        tpu.enqueue_dma source(%dma_start3A_96 : memref<1568xf32, #tpu.memory_space<vmem>>) target(%dma_start3A_94 : memref<1568xf32, #tpu.memory_space<hbm>>) target_semaphore(%run_scoped3A : memref<!tpu.dma_semaphore, #tpu.memory_space<semaphore_mem>>)
        %dma_wait3A_97 = arith.constant 6272 : i32
        %dma_wait3A_98 = tpu.memref_slice %arg11[%dma_wait3A_97] : memref<8960xf32, #tpu.memory_space<vmem>> -> memref<1568xf32, #tpu.memory_space<vmem>>
        %dma_wait3A_99 = tpu.memref_slice %arg8[%add3A_83] : memref<200704xf32, #tpu.memory_space<hbm>> -> memref<1568xf32, #tpu.memory_space<hbm>>
        %dma_wait3A_100 = tpu.memref_slice %arg8[%add3A_83] : memref<200704xf32, #tpu.memory_space<hbm>> -> memref<1568xf32, #tpu.memory_space<hbm>>
        %dma_wait3A_101 = arith.constant 6272 : i32
        %dma_wait3A_102 = tpu.memref_slice %arg11[%dma_wait3A_101] : memref<8960xf32, #tpu.memory_space<vmem>> -> memref<1568xf32, #tpu.memory_space<vmem>>
        tpu.wait_dma2 semaphore(%run_scoped3A : memref<!tpu.dma_semaphore, #tpu.memory_space<semaphore_mem>>) src(%dma_wait3A_102 : memref<1568xf32, #tpu.memory_space<vmem>>) dst(%dma_wait3A_100 : memref<1568xf32, #tpu.memory_space<hbm>>)
        tpu.yield
      }) : () -> ()
      %scan3A_91 = arith.constant 0 : i32
      scf.yield %scan3A_91 : i32
    }
    %scan3A_43 = arith.constant 4 : i32
    %barrier3A = arith.constant 0 : index
    tpu.barrier barrier_id(%barrier3A)
    %scan3A_44 = arith.constant 1.000000e+00 : f32
    %scan3A_45 = arith.constant 0 : i32
    %scan3A_46 = arith.constant 0 : i32
    %scan3A_47 = arith.constant 6 : i32
    %scan3A_48 = arith.addi %scan3A_46, %scan3A_47 : i32
    %scan3A_49 = arith.constant 1 : i32
    %scan3A_50 = scf.for %scan3A_79 = %scan3A_46 to %scan3A_48 step %scan3A_49 iter_args(%scan3A_80 = %scan3A_45) -> (i32)  : i32 {
      %mul3A_81 = arith.constant 96 : i32
      %mul3A_82 = arith.muli %select_n3A, %mul3A_81 : i32
      %add3A_83 = arith.addi %mul3A_82, %select_n3A_30 : i32
      %mul3A_84 = arith.constant 16 : i32
      %mul3A_85 = arith.muli %mul3A_84, %scan3A_79 : i32
      %add3A_86 = arith.addi %add3A_83, %mul3A_85 : i32
      %add3A_87 = arith.constant 8 : i32
      %add3A_88 = arith.addi %add3A_86, %add3A_87 : i32
      %gt3A = arith.constant 0 : i32
      %gt3A_89 = arith.cmpi sgt, %scan3A_79, %gt3A : i32
      %convert_element_type3A = arith.extui %gt3A_89 : i1 to i32
      %cond3A = arith.constant 0 : i32
      %cond3A_90 = arith.cmpi ne, %convert_element_type3A, %cond3A : i32
      scf.if %cond3A_90 {
        %mul3A_171 = arith.constant 50176 : i32
        %mul3A_172 = arith.muli %add3A_86, %mul3A_171 : i32
        %dma_wait3A_173 = arith.constant 0 : i32
        %dma_wait3A_174 = tpu.memref_slice %arg9[%dma_wait3A_173] : memref<51336xf32, #tpu.memory_space<vmem>> -> memref<50176xf32, #tpu.memory_space<vmem>>
        %dma_wait3A_175 = tpu.memref_slice %arg5[%mul3A_172] : memref<19267584xf32, #tpu.memory_space<hbm>> -> memref<50176xf32, #tpu.memory_space<hbm>>
        %dma_wait3A_176 = tpu.memref_slice %arg5[%mul3A_172] : memref<19267584xf32, #tpu.memory_space<hbm>> -> memref<50176xf32, #tpu.memory_space<hbm>>
        %dma_wait3A_177 = arith.constant 0 : i32
        %dma_wait3A_178 = tpu.memref_slice %arg9[%dma_wait3A_177] : memref<51336xf32, #tpu.memory_space<vmem>> -> memref<50176xf32, #tpu.memory_space<vmem>>
        tpu.wait_dma2 semaphore(%arg15 : memref<!tpu.dma_semaphore, #tpu.memory_space<semaphore_mem>>) src(%dma_wait3A_178 : memref<50176xf32, #tpu.memory_space<vmem>>) dst(%dma_wait3A_176 : memref<50176xf32, #tpu.memory_space<hbm>>)
        %mul3A_179 = arith.constant 50176 : i32
        %mul3A_180 = arith.muli %add3A_88, %mul3A_179 : i32
        %dma_wait3A_181 = arith.constant 0 : i32
        %dma_wait3A_182 = tpu.memref_slice %arg10[%dma_wait3A_181] : memref<51336xf32, #tpu.memory_space<vmem>> -> memref<50176xf32, #tpu.memory_space<vmem>>
        %dma_wait3A_183 = tpu.memref_slice %arg5[%mul3A_180] : memref<19267584xf32, #tpu.memory_space<hbm>> -> memref<50176xf32, #tpu.memory_space<hbm>>
        %dma_wait3A_184 = tpu.memref_slice %arg5[%mul3A_180] : memref<19267584xf32, #tpu.memory_space<hbm>> -> memref<50176xf32, #tpu.memory_space<hbm>>
        %dma_wait3A_185 = arith.constant 0 : i32
        %dma_wait3A_186 = tpu.memref_slice %arg10[%dma_wait3A_185] : memref<51336xf32, #tpu.memory_space<vmem>> -> memref<50176xf32, #tpu.memory_space<vmem>>
        tpu.wait_dma2 semaphore(%arg15 : memref<!tpu.dma_semaphore, #tpu.memory_space<semaphore_mem>>) src(%dma_wait3A_186 : memref<50176xf32, #tpu.memory_space<vmem>>) dst(%dma_wait3A_184 : memref<50176xf32, #tpu.memory_space<hbm>>)
      } else {
      }
      %mul3A_91 = arith.constant 50176 : i32
      %mul3A_92 = arith.muli %select_n3A, %mul3A_91 : i32
      %add3A_93 = arith.constant 0 : i32
      %add3A_94 = arith.addi %mul3A_92, %add3A_93 : i32
      %dma_start3A = arith.constant 0 : i32
      %dma_start3A_95 = tpu.memref_slice %arg11[%dma_start3A] : memref<8960xf32, #tpu.memory_space<vmem>> -> memref<1792xf32, #tpu.memory_space<vmem>>
      %dma_start3A_96 = tpu.memref_slice %arg6[%add3A_94] : memref<200704xf32, #tpu.memory_space<hbm>> -> memref<1792xf32, #tpu.memory_space<hbm>>
      %dma_start3A_97 = arith.constant 0 : i32
      %dma_start3A_98 = tpu.memref_slice %arg11[%dma_start3A_97] : memref<8960xf32, #tpu.memory_space<vmem>> -> memref<1792xf32, #tpu.memory_space<vmem>>
      %dma_start3A_99 = tpu.memref_slice %arg6[%add3A_94] : memref<200704xf32, #tpu.memory_space<hbm>> -> memref<1792xf32, #tpu.memory_space<hbm>>
      tpu.enqueue_dma source(%dma_start3A_99 : memref<1792xf32, #tpu.memory_space<hbm>>) target(%dma_start3A_98 : memref<1792xf32, #tpu.memory_space<vmem>>) target_semaphore(%arg13 : memref<!tpu.dma_semaphore, #tpu.memory_space<semaphore_mem>>)
      %dma_start3A_100 = arith.constant 1792 : i32
      %dma_start3A_101 = tpu.memref_slice %arg11[%dma_start3A_100] : memref<8960xf32, #tpu.memory_space<vmem>> -> memref<1792xf32, #tpu.memory_space<vmem>>
      %dma_start3A_102 = tpu.memref_slice %arg7[%add3A_94] : memref<200704xf32, #tpu.memory_space<hbm>> -> memref<1792xf32, #tpu.memory_space<hbm>>
      %dma_start3A_103 = arith.constant 1792 : i32
      %dma_start3A_104 = tpu.memref_slice %arg11[%dma_start3A_103] : memref<8960xf32, #tpu.memory_space<vmem>> -> memref<1792xf32, #tpu.memory_space<vmem>>
      %dma_start3A_105 = tpu.memref_slice %arg7[%add3A_94] : memref<200704xf32, #tpu.memory_space<hbm>> -> memref<1792xf32, #tpu.memory_space<hbm>>
      tpu.enqueue_dma source(%dma_start3A_105 : memref<1792xf32, #tpu.memory_space<hbm>>) target(%dma_start3A_104 : memref<1792xf32, #tpu.memory_space<vmem>>) target_semaphore(%arg13 : memref<!tpu.dma_semaphore, #tpu.memory_space<semaphore_mem>>)
      %dma_start3A_106 = arith.constant 3584 : i32
      %dma_start3A_107 = tpu.memref_slice %arg11[%dma_start3A_106] : memref<8960xf32, #tpu.memory_space<vmem>> -> memref<1792xf32, #tpu.memory_space<vmem>>
      %dma_start3A_108 = tpu.memref_slice %arg8[%add3A_94] : memref<200704xf32, #tpu.memory_space<hbm>> -> memref<1792xf32, #tpu.memory_space<hbm>>
      %dma_start3A_109 = arith.constant 3584 : i32
      %dma_start3A_110 = tpu.memref_slice %arg11[%dma_start3A_109] : memref<8960xf32, #tpu.memory_space<vmem>> -> memref<1792xf32, #tpu.memory_space<vmem>>
      %dma_start3A_111 = tpu.memref_slice %arg8[%add3A_94] : memref<200704xf32, #tpu.memory_space<hbm>> -> memref<1792xf32, #tpu.memory_space<hbm>>
      tpu.enqueue_dma source(%dma_start3A_111 : memref<1792xf32, #tpu.memory_space<hbm>>) target(%dma_start3A_110 : memref<1792xf32, #tpu.memory_space<vmem>>) target_semaphore(%arg13 : memref<!tpu.dma_semaphore, #tpu.memory_space<semaphore_mem>>)
      %mul3A_112 = arith.constant 50176 : i32
      %mul3A_113 = arith.muli %add3A_86, %mul3A_112 : i32
      %add3A_114 = arith.constant 0 : i32
      %add3A_115 = arith.addi %mul3A_113, %add3A_114 : i32
      %dma_start3A_116 = arith.constant 5376 : i32
      %dma_start3A_117 = tpu.memref_slice %arg11[%dma_start3A_116] : memref<8960xf32, #tpu.memory_space<vmem>> -> memref<1792xf32, #tpu.memory_space<vmem>>
      %dma_start3A_118 = tpu.memref_slice %arg2[%add3A_115] : memref<19267584xf32, #tpu.memory_space<hbm>> -> memref<1792xf32, #tpu.memory_space<hbm>>
      %dma_start3A_119 = arith.constant 5376 : i32
      %dma_start3A_120 = tpu.memref_slice %arg11[%dma_start3A_119] : memref<8960xf32, #tpu.memory_space<vmem>> -> memref<1792xf32, #tpu.memory_space<vmem>>
      %dma_start3A_121 = tpu.memref_slice %arg2[%add3A_115] : memref<19267584xf32, #tpu.memory_space<hbm>> -> memref<1792xf32, #tpu.memory_space<hbm>>
      tpu.enqueue_dma source(%dma_start3A_121 : memref<1792xf32, #tpu.memory_space<hbm>>) target(%dma_start3A_120 : memref<1792xf32, #tpu.memory_space<vmem>>) target_semaphore(%arg13 : memref<!tpu.dma_semaphore, #tpu.memory_space<semaphore_mem>>)
      %mul3A_122 = arith.constant 50176 : i32
      %mul3A_123 = arith.muli %add3A_88, %mul3A_122 : i32
      %add3A_124 = arith.constant 0 : i32
      %add3A_125 = arith.addi %mul3A_123, %add3A_124 : i32
      %dma_start3A_126 = arith.constant 7168 : i32
      %dma_start3A_127 = tpu.memref_slice %arg11[%dma_start3A_126] : memref<8960xf32, #tpu.memory_space<vmem>> -> memref<1792xf32, #tpu.memory_space<vmem>>
      %dma_start3A_128 = tpu.memref_slice %arg2[%add3A_125] : memref<19267584xf32, #tpu.memory_space<hbm>> -> memref<1792xf32, #tpu.memory_space<hbm>>
      %dma_start3A_129 = arith.constant 7168 : i32
      %dma_start3A_130 = tpu.memref_slice %arg11[%dma_start3A_129] : memref<8960xf32, #tpu.memory_space<vmem>> -> memref<1792xf32, #tpu.memory_space<vmem>>
      %dma_start3A_131 = tpu.memref_slice %arg2[%add3A_125] : memref<19267584xf32, #tpu.memory_space<hbm>> -> memref<1792xf32, #tpu.memory_space<hbm>>
      tpu.enqueue_dma source(%dma_start3A_131 : memref<1792xf32, #tpu.memory_space<hbm>>) target(%dma_start3A_130 : memref<1792xf32, #tpu.memory_space<vmem>>) target_semaphore(%arg13 : memref<!tpu.dma_semaphore, #tpu.memory_space<semaphore_mem>>)
      %broadcast_in_dim3A = arith.constant 0.000000e+00 : f32
      %broadcast_in_dim3A_132 = vector.broadcast %broadcast_in_dim3A : f32 to vector<16xf32>
      %scan3A_133 = arith.constant 0 : i32
      %scan3A_134 = arith.constant 0 : i32
      %scan3A_135 = arith.constant 802 : i32
      %scan3A_136 = arith.addi %scan3A_134, %scan3A_135 : i32
      %scan3A_137 = arith.constant 1 : i32
      %scan3A_138 = scf.for %scan3A_171 = %scan3A_134 to %scan3A_136 step %scan3A_137 iter_args(%scan3A_172 = %scan3A_133) -> (i32)  : i32 {
        %mul3A_173 = arith.constant 64 : i32
        %mul3A_174 = arith.muli %scan3A_171, %mul3A_173 : i32
        %add3A_175 = arith.constant 0 : i32
        %add3A_176 = arith.addi %mul3A_174, %add3A_175 : i32
        %swap3A = arith.index_cast %add3A_176 : i32 to index
        %swap3A_177 = tpu.vector_load %arg9[%swap3A] {strides = array<i32>} : memref<51336xf32, #tpu.memory_space<vmem>>, vector<16xf32>,
        tpu.vector_store %arg9[%swap3A], %broadcast_in_dim3A_132 {strides = array<i32>} : memref<51336xf32, #tpu.memory_space<vmem>>, vector<16xf32>,
        %add3A_178 = arith.constant 0 : i32
        %add3A_179 = arith.addi %mul3A_174, %add3A_178 : i32
        %swap3A_180 = arith.index_cast %add3A_179 : i32 to index
        %swap3A_181 = tpu.vector_load %arg10[%swap3A_180] {strides = array<i32>} : memref<51336xf32, #tpu.memory_space<vmem>>, vector<16xf32>,
        tpu.vector_store %arg10[%swap3A_180], %broadcast_in_dim3A_132 {strides = array<i32>} : memref<51336xf32, #tpu.memory_space<vmem>>, vector<16xf32>,
        %add3A_182 = arith.constant 16 : i32
        %add3A_183 = arith.addi %mul3A_174, %add3A_182 : i32
        %swap3A_184 = arith.index_cast %add3A_183 : i32 to index
        %swap3A_185 = tpu.vector_load %arg9[%swap3A_184] {strides = array<i32>} : memref<51336xf32, #tpu.memory_space<vmem>>, vector<16xf32>,
        tpu.vector_store %arg9[%swap3A_184], %broadcast_in_dim3A_132 {strides = array<i32>} : memref<51336xf32, #tpu.memory_space<vmem>>, vector<16xf32>,
        %add3A_186 = arith.constant 16 : i32
        %add3A_187 = arith.addi %mul3A_174, %add3A_186 : i32
        %swap3A_188 = arith.index_cast %add3A_187 : i32 to index
        %swap3A_189 = tpu.vector_load %arg10[%swap3A_188] {strides = array<i32>} : memref<51336xf32, #tpu.memory_space<vmem>>, vector<16xf32>,
        tpu.vector_store %arg10[%swap3A_188], %broadcast_in_dim3A_132 {strides = array<i32>} : memref<51336xf32, #tpu.memory_space<vmem>>, vector<16xf32>,
        %add3A_190 = arith.constant 32 : i32
        %add3A_191 = arith.addi %mul3A_174, %add3A_190 : i32
        %swap3A_192 = arith.index_cast %add3A_191 : i32 to index
        %swap3A_193 = tpu.vector_load %arg9[%swap3A_192] {strides = array<i32>} : memref<51336xf32, #tpu.memory_space<vmem>>, vector<16xf32>,
        tpu.vector_store %arg9[%swap3A_192], %broadcast_in_dim3A_132 {strides = array<i32>} : memref<51336xf32, #tpu.memory_space<vmem>>, vector<16xf32>,
        %add3A_194 = arith.constant 32 : i32
        %add3A_195 = arith.addi %mul3A_174, %add3A_194 : i32
        %swap3A_196 = arith.index_cast %add3A_195 : i32 to index
        %swap3A_197 = tpu.vector_load %arg10[%swap3A_196] {strides = array<i32>} : memref<51336xf32, #tpu.memory_space<vmem>>, vector<16xf32>,
        tpu.vector_store %arg10[%swap3A_196], %broadcast_in_dim3A_132 {strides = array<i32>} : memref<51336xf32, #tpu.memory_space<vmem>>, vector<16xf32>,
        %add3A_198 = arith.constant 48 : i32
        %add3A_199 = arith.addi %mul3A_174, %add3A_198 : i32
        %swap3A_200 = arith.index_cast %add3A_199 : i32 to index
        %swap3A_201 = tpu.vector_load %arg9[%swap3A_200] {strides = array<i32>} : memref<51336xf32, #tpu.memory_space<vmem>>, vector<16xf32>,
        tpu.vector_store %arg9[%swap3A_200], %broadcast_in_dim3A_132 {strides = array<i32>} : memref<51336xf32, #tpu.memory_space<vmem>>, vector<16xf32>,
        %add3A_202 = arith.constant 48 : i32
        %add3A_203 = arith.addi %mul3A_174, %add3A_202 : i32
        %swap3A_204 = arith.index_cast %add3A_203 : i32 to index
        %swap3A_205 = tpu.vector_load %arg10[%swap3A_204] {strides = array<i32>} : memref<51336xf32, #tpu.memory_space<vmem>>, vector<16xf32>,
        tpu.vector_store %arg10[%swap3A_204], %broadcast_in_dim3A_132 {strides = array<i32>} : memref<51336xf32, #tpu.memory_space<vmem>>, vector<16xf32>,
        %scan3A_206 = arith.constant 0 : i32
        scf.yield %scan3A_206 : i32
      }
      %scan3A_139 = arith.constant 802 : i32
      %scan3A_140 = arith.constant 0 : i32
      %scan3A_141 = arith.constant 0 : i32
      %scan3A_142 = arith.constant 14 : i32
      %scan3A_143 = arith.addi %scan3A_141, %scan3A_142 : i32
      %scan3A_144 = arith.constant 1 : i32
      %scan3A_145 = scf.for %scan3A_171 = %scan3A_141 to %scan3A_143 step %scan3A_144 iter_args(%scan3A_172 = %scan3A_140) -> (i32)  : i32 {
        %mul3A_173 = arith.constant 2 : i32
        %mul3A_174 = arith.muli %scan3A_171, %mul3A_173 : i32
        %dma_wait3A_175 = arith.constant 0 : i32
        %dma_wait3A_176 = tpu.memref_slice %arg11[%dma_wait3A_175] : memref<8960xf32, #tpu.memory_space<vmem>> -> memref<1792xf32, #tpu.memory_space<vmem>>
        %dma_wait3A_177 = arith.constant 0 : i32
        %dma_wait3A_178 = tpu.memref_slice %arg6[%dma_wait3A_177] : memref<200704xf32, #tpu.memory_space<hbm>> -> memref<1792xf32, #tpu.memory_space<hbm>>
        %dma_wait3A_179 = arith.constant 0 : i32
        %dma_wait3A_180 = tpu.memref_slice %arg11[%dma_wait3A_179] : memref<8960xf32, #tpu.memory_space<vmem>> -> memref<1792xf32, #tpu.memory_space<vmem>>
        %dma_wait3A_181 = arith.constant 0 : i32
        %dma_wait3A_182 = tpu.memref_slice %arg6[%dma_wait3A_181] : memref<200704xf32, #tpu.memory_space<hbm>> -> memref<1792xf32, #tpu.memory_space<hbm>>
        tpu.wait_dma2 semaphore(%arg13 : memref<!tpu.dma_semaphore, #tpu.memory_space<semaphore_mem>>) src(%dma_wait3A_182 : memref<1792xf32, #tpu.memory_space<hbm>>) dst(%dma_wait3A_180 : memref<1792xf32, #tpu.memory_space<vmem>>)
        %dma_wait3A_183 = arith.constant 1792 : i32
        %dma_wait3A_184 = tpu.memref_slice %arg11[%dma_wait3A_183] : memref<8960xf32, #tpu.memory_space<vmem>> -> memref<1792xf32, #tpu.memory_space<vmem>>
        %dma_wait3A_185 = arith.constant 0 : i32
        %dma_wait3A_186 = tpu.memref_slice %arg6[%dma_wait3A_185] : memref<200704xf32, #tpu.memory_space<hbm>> -> memref<1792xf32, #tpu.memory_space<hbm>>
        %dma_wait3A_187 = arith.constant 1792 : i32
        %dma_wait3A_188 = tpu.memref_slice %arg11[%dma_wait3A_187] : memref<8960xf32, #tpu.memory_space<vmem>> -> memref<1792xf32, #tpu.memory_space<vmem>>
        %dma_wait3A_189 = arith.constant 0 : i32
        %dma_wait3A_190 = tpu.memref_slice %arg6[%dma_wait3A_189] : memref<200704xf32, #tpu.memory_space<hbm>> -> memref<1792xf32, #tpu.memory_space<hbm>>
        tpu.wait_dma2 semaphore(%arg13 : memref<!tpu.dma_semaphore, #tpu.memory_space<semaphore_mem>>) src(%dma_wait3A_190 : memref<1792xf32, #tpu.memory_space<hbm>>) dst(%dma_wait3A_188 : memref<1792xf32, #tpu.memory_space<vmem>>)
        %dma_wait3A_191 = arith.constant 3584 : i32
        %dma_wait3A_192 = tpu.memref_slice %arg11[%dma_wait3A_191] : memref<8960xf32, #tpu.memory_space<vmem>> -> memref<1792xf32, #tpu.memory_space<vmem>>
        %dma_wait3A_193 = arith.constant 0 : i32
        %dma_wait3A_194 = tpu.memref_slice %arg6[%dma_wait3A_193] : memref<200704xf32, #tpu.memory_space<hbm>> -> memref<1792xf32, #tpu.memory_space<hbm>>
        %dma_wait3A_195 = arith.constant 3584 : i32
        %dma_wait3A_196 = tpu.memref_slice %arg11[%dma_wait3A_195] : memref<8960xf32, #tpu.memory_space<vmem>> -> memref<1792xf32, #tpu.memory_space<vmem>>
        %dma_wait3A_197 = arith.constant 0 : i32
        %dma_wait3A_198 = tpu.memref_slice %arg6[%dma_wait3A_197] : memref<200704xf32, #tpu.memory_space<hbm>> -> memref<1792xf32, #tpu.memory_space<hbm>>
        tpu.wait_dma2 semaphore(%arg13 : memref<!tpu.dma_semaphore, #tpu.memory_space<semaphore_mem>>) src(%dma_wait3A_198 : memref<1792xf32, #tpu.memory_space<hbm>>) dst(%dma_wait3A_196 : memref<1792xf32, #tpu.memory_space<vmem>>)
        %dma_wait3A_199 = arith.constant 5376 : i32
        %dma_wait3A_200 = tpu.memref_slice %arg11[%dma_wait3A_199] : memref<8960xf32, #tpu.memory_space<vmem>> -> memref<1792xf32, #tpu.memory_space<vmem>>
        %dma_wait3A_201 = arith.constant 0 : i32
        %dma_wait3A_202 = tpu.memref_slice %arg6[%dma_wait3A_201] : memref<200704xf32, #tpu.memory_space<hbm>> -> memref<1792xf32, #tpu.memory_space<hbm>>
        %dma_wait3A_203 = arith.constant 5376 : i32
        %dma_wait3A_204 = tpu.memref_slice %arg11[%dma_wait3A_203] : memref<8960xf32, #tpu.memory_space<vmem>> -> memref<1792xf32, #tpu.memory_space<vmem>>
        %dma_wait3A_205 = arith.constant 0 : i32
        %dma_wait3A_206 = tpu.memref_slice %arg6[%dma_wait3A_205] : memref<200704xf32, #tpu.memory_space<hbm>> -> memref<1792xf32, #tpu.memory_space<hbm>>
        tpu.wait_dma2 semaphore(%arg13 : memref<!tpu.dma_semaphore, #tpu.memory_space<semaphore_mem>>) src(%dma_wait3A_206 : memref<1792xf32, #tpu.memory_space<hbm>>) dst(%dma_wait3A_204 : memref<1792xf32, #tpu.memory_space<vmem>>)
        %dma_wait3A_207 = arith.constant 7168 : i32
        %dma_wait3A_208 = tpu.memref_slice %arg11[%dma_wait3A_207] : memref<8960xf32, #tpu.memory_space<vmem>> -> memref<1792xf32, #tpu.memory_space<vmem>>
        %dma_wait3A_209 = arith.constant 0 : i32
        %dma_wait3A_210 = tpu.memref_slice %arg6[%dma_wait3A_209] : memref<200704xf32, #tpu.memory_space<hbm>> -> memref<1792xf32, #tpu.memory_space<hbm>>
        %dma_wait3A_211 = arith.constant 7168 : i32
        %dma_wait3A_212 = tpu.memref_slice %arg11[%dma_wait3A_211] : memref<8960xf32, #tpu.memory_space<vmem>> -> memref<1792xf32, #tpu.memory_space<vmem>>
        %dma_wait3A_213 = arith.constant 0 : i32
        %dma_wait3A_214 = tpu.memref_slice %arg6[%dma_wait3A_213] : memref<200704xf32, #tpu.memory_space<hbm>> -> memref<1792xf32, #tpu.memory_space<hbm>>
        tpu.wait_dma2 semaphore(%arg13 : memref<!tpu.dma_semaphore, #tpu.memory_space<semaphore_mem>>) src(%dma_wait3A_214 : memref<1792xf32, #tpu.memory_space<hbm>>) dst(%dma_wait3A_212 : memref<1792xf32, #tpu.memory_space<vmem>>)
        %add3A_215 = arith.constant 1 : i32
        %add3A_216 = arith.addi %mul3A_174, %add3A_215 : i32
        %mul3A_217 = arith.constant 1792 : i32
        %mul3A_218 = arith.muli %add3A_216, %mul3A_217 : i32
        %mul3A_219 = arith.constant 50176 : i32
        %mul3A_220 = arith.muli %select_n3A, %mul3A_219 : i32
        %add3A_221 = arith.addi %mul3A_220, %mul3A_218 : i32
        %dma_start3A_222 = arith.constant 0 : i32
        %dma_start3A_223 = tpu.memref_slice %arg12[%dma_start3A_222] : memref<8960xf32, #tpu.memory_space<vmem>> -> memref<1792xf32, #tpu.memory_space<vmem>>
        %dma_start3A_224 = tpu.memref_slice %arg6[%add3A_221] : memref<200704xf32, #tpu.memory_space<hbm>> -> memref<1792xf32, #tpu.memory_space<hbm>>
        %dma_start3A_225 = arith.constant 0 : i32
        %dma_start3A_226 = tpu.memref_slice %arg12[%dma_start3A_225] : memref<8960xf32, #tpu.memory_space<vmem>> -> memref<1792xf32, #tpu.memory_space<vmem>>
        %dma_start3A_227 = tpu.memref_slice %arg6[%add3A_221] : memref<200704xf32, #tpu.memory_space<hbm>> -> memref<1792xf32, #tpu.memory_space<hbm>>
        tpu.enqueue_dma source(%dma_start3A_227 : memref<1792xf32, #tpu.memory_space<hbm>>) target(%dma_start3A_226 : memref<1792xf32, #tpu.memory_space<vmem>>) target_semaphore(%arg14 : memref<!tpu.dma_semaphore, #tpu.memory_space<semaphore_mem>>)
        %dma_start3A_228 = arith.constant 1792 : i32
        %dma_start3A_229 = tpu.memref_slice %arg12[%dma_start3A_228] : memref<8960xf32, #tpu.memory_space<vmem>> -> memref<1792xf32, #tpu.memory_space<vmem>>
        %dma_start3A_230 = tpu.memref_slice %arg7[%add3A_221] : memref<200704xf32, #tpu.memory_space<hbm>> -> memref<1792xf32, #tpu.memory_space<hbm>>
        %dma_start3A_231 = arith.constant 1792 : i32
        %dma_start3A_232 = tpu.memref_slice %arg12[%dma_start3A_231] : memref<8960xf32, #tpu.memory_space<vmem>> -> memref<1792xf32, #tpu.memory_space<vmem>>
        %dma_start3A_233 = tpu.memref_slice %arg7[%add3A_221] : memref<200704xf32, #tpu.memory_space<hbm>> -> memref<1792xf32, #tpu.memory_space<hbm>>
        tpu.enqueue_dma source(%dma_start3A_233 : memref<1792xf32, #tpu.memory_space<hbm>>) target(%dma_start3A_232 : memref<1792xf32, #tpu.memory_space<vmem>>) target_semaphore(%arg14 : memref<!tpu.dma_semaphore, #tpu.memory_space<semaphore_mem>>)
        %dma_start3A_234 = arith.constant 3584 : i32
        %dma_start3A_235 = tpu.memref_slice %arg12[%dma_start3A_234] : memref<8960xf32, #tpu.memory_space<vmem>> -> memref<1792xf32, #tpu.memory_space<vmem>>
        %dma_start3A_236 = tpu.memref_slice %arg8[%add3A_221] : memref<200704xf32, #tpu.memory_space<hbm>> -> memref<1792xf32, #tpu.memory_space<hbm>>
        %dma_start3A_237 = arith.constant 3584 : i32
        %dma_start3A_238 = tpu.memref_slice %arg12[%dma_start3A_237] : memref<8960xf32, #tpu.memory_space<vmem>> -> memref<1792xf32, #tpu.memory_space<vmem>>
        %dma_start3A_239 = tpu.memref_slice %arg8[%add3A_221] : memref<200704xf32, #tpu.memory_space<hbm>> -> memref<1792xf32, #tpu.memory_space<hbm>>
        tpu.enqueue_dma source(%dma_start3A_239 : memref<1792xf32, #tpu.memory_space<hbm>>) target(%dma_start3A_238 : memref<1792xf32, #tpu.memory_space<vmem>>) target_semaphore(%arg14 : memref<!tpu.dma_semaphore, #tpu.memory_space<semaphore_mem>>)
        %mul3A_240 = arith.constant 50176 : i32
        %mul3A_241 = arith.muli %add3A_86, %mul3A_240 : i32
        %add3A_242 = arith.addi %mul3A_241, %mul3A_218 : i32
        %dma_start3A_243 = arith.constant 5376 : i32
        %dma_start3A_244 = tpu.memref_slice %arg12[%dma_start3A_243] : memref<8960xf32, #tpu.memory_space<vmem>> -> memref<1792xf32, #tpu.memory_space<vmem>>
        %dma_start3A_245 = tpu.memref_slice %arg2[%add3A_242] : memref<19267584xf32, #tpu.memory_space<hbm>> -> memref<1792xf32, #tpu.memory_space<hbm>>
        %dma_start3A_246 = arith.constant 5376 : i32
        %dma_start3A_247 = tpu.memref_slice %arg12[%dma_start3A_246] : memref<8960xf32, #tpu.memory_space<vmem>> -> memref<1792xf32, #tpu.memory_space<vmem>>
        %dma_start3A_248 = tpu.memref_slice %arg2[%add3A_242] : memref<19267584xf32, #tpu.memory_space<hbm>> -> memref<1792xf32, #tpu.memory_space<hbm>>
        tpu.enqueue_dma source(%dma_start3A_248 : memref<1792xf32, #tpu.memory_space<hbm>>) target(%dma_start3A_247 : memref<1792xf32, #tpu.memory_space<vmem>>) target_semaphore(%arg14 : memref<!tpu.dma_semaphore, #tpu.memory_space<semaphore_mem>>)
        %mul3A_249 = arith.constant 50176 : i32
        %mul3A_250 = arith.muli %add3A_88, %mul3A_249 : i32
        %add3A_251 = arith.addi %mul3A_250, %mul3A_218 : i32
        %dma_start3A_252 = arith.constant 7168 : i32
        %dma_start3A_253 = tpu.memref_slice %arg12[%dma_start3A_252] : memref<8960xf32, #tpu.memory_space<vmem>> -> memref<1792xf32, #tpu.memory_space<vmem>>
        %dma_start3A_254 = tpu.memref_slice %arg2[%add3A_251] : memref<19267584xf32, #tpu.memory_space<hbm>> -> memref<1792xf32, #tpu.memory_space<hbm>>
        %dma_start3A_255 = arith.constant 7168 : i32
        %dma_start3A_256 = tpu.memref_slice %arg12[%dma_start3A_255] : memref<8960xf32, #tpu.memory_space<vmem>> -> memref<1792xf32, #tpu.memory_space<vmem>>
        %dma_start3A_257 = tpu.memref_slice %arg2[%add3A_251] : memref<19267584xf32, #tpu.memory_space<hbm>> -> memref<1792xf32, #tpu.memory_space<hbm>>
        tpu.enqueue_dma source(%dma_start3A_257 : memref<1792xf32, #tpu.memory_space<hbm>>) target(%dma_start3A_256 : memref<1792xf32, #tpu.memory_space<vmem>>) target_semaphore(%arg14 : memref<!tpu.dma_semaphore, #tpu.memory_space<semaphore_mem>>)
        %parallel_loop3A = arith.constant 0 : i32
        %parallel_loop3A_258 = arith.constant 56 : i32
        %parallel_loop3A_259 = arith.constant 1 : i32
        scf.for %parallel_loop3A_309 = %parallel_loop3A to %parallel_loop3A_258 step %parallel_loop3A_259  : i32 {
          %parallel_loop3A_310 = arith.constant 32 : i32
          %parallel_loop3A_311 = arith.muli %parallel_loop3A_309, %parallel_loop3A_310 : i32
          %parallel_loop3A_312 = arith.constant 0 : i32
          %parallel_loop3A_313 = arith.addi %parallel_loop3A_311, %parallel_loop3A_312 : i32
          %parallel_loop3A_314 = arith.index_cast %parallel_loop3A_313 : i32 to index
          %parallel_loop3A_315 = tpu.vector_load %arg11[%parallel_loop3A_314] {strides = array<i32>} : memref<8960xf32, #tpu.memory_space<vmem>>, vector<16xf32>,
          %parallel_loop3A_316 = vector.bitcast %parallel_loop3A_315 : vector<16xf32> to vector<16xi32>
          %parallel_loop3A_317 = arith.constant 1792 : i32
          %parallel_loop3A_318 = arith.addi %parallel_loop3A_317, %parallel_loop3A_313 : i32
          %parallel_loop3A_319 = arith.index_cast %parallel_loop3A_318 : i32 to index
          %parallel_loop3A_320 = tpu.vector_load %arg11[%parallel_loop3A_319] {strides = array<i32>} : memref<8960xf32, #tpu.memory_space<vmem>>, vector<16xf32>,
          %parallel_loop3A_321 = arith.constant 3584 : i32
          %parallel_loop3A_322 = arith.addi %parallel_loop3A_321, %parallel_loop3A_313 : i32
          %parallel_loop3A_323 = arith.index_cast %parallel_loop3A_322 : i32 to index
          %parallel_loop3A_324 = tpu.vector_load %arg11[%parallel_loop3A_323] {strides = array<i32>} : memref<8960xf32, #tpu.memory_space<vmem>>, vector<16xf32>,
          %parallel_loop3A_325 = arith.constant 5376 : i32
          %parallel_loop3A_326 = arith.addi %parallel_loop3A_325, %parallel_loop3A_313 : i32
          %parallel_loop3A_327 = arith.index_cast %parallel_loop3A_326 : i32 to index
          %parallel_loop3A_328 = tpu.vector_load %arg11[%parallel_loop3A_327] {strides = array<i32>} : memref<8960xf32, #tpu.memory_space<vmem>>, vector<16xf32>,
          %parallel_loop3A_329 = arith.constant 7168 : i32
          %parallel_loop3A_330 = arith.addi %parallel_loop3A_329, %parallel_loop3A_313 : i32
          %parallel_loop3A_331 = arith.index_cast %parallel_loop3A_330 : i32 to index
          %parallel_loop3A_332 = tpu.vector_load %arg11[%parallel_loop3A_331] {strides = array<i32>} : memref<8960xf32, #tpu.memory_space<vmem>>, vector<16xf32>,
          %parallel_loop3A_333 = vector.broadcast %scan3A_44 : f32 to vector<16xf32>
          %parallel_loop3A_334 = arith.subf %parallel_loop3A_333, %parallel_loop3A_320 : vector<16xf32>
          %parallel_loop3A_335 = vector.broadcast %scan3A_44 : f32 to vector<16xf32>
          %parallel_loop3A_336 = arith.subf %parallel_loop3A_335, %parallel_loop3A_324 : vector<16xf32>
          %parallel_loop3A_337 = arith.constant 1 : i32
          %parallel_loop3A_338 = vector.broadcast %parallel_loop3A_337 : i32 to vector<16xi32>
          %parallel_loop3A_339 = arith.addi %parallel_loop3A_316, %parallel_loop3A_338 : vector<16xi32>
          %parallel_loop3A_340 = arith.constant 226 : i32
          %parallel_loop3A_341 = vector.broadcast %parallel_loop3A_340 : i32 to vector<16xi32>
          %parallel_loop3A_342 = arith.addi %parallel_loop3A_316, %parallel_loop3A_341 : vector<16xi32>
          %parallel_loop3A_343 = arith.constant 227 : i32
          %parallel_loop3A_344 = vector.broadcast %parallel_loop3A_343 : i32 to vector<16xi32>
          %parallel_loop3A_345 = arith.addi %parallel_loop3A_316, %parallel_loop3A_344 : vector<16xi32>
          %parallel_loop3A_346 = arith.mulf %parallel_loop3A_320, %parallel_loop3A_324 : vector<16xf32>
          %parallel_loop3A_347 = arith.mulf %parallel_loop3A_320, %parallel_loop3A_336 : vector<16xf32>
          %parallel_loop3A_348 = arith.mulf %parallel_loop3A_334, %parallel_loop3A_324 : vector<16xf32>
          %parallel_loop3A_349 = arith.mulf %parallel_loop3A_334, %parallel_loop3A_336 : vector<16xf32>
          %parallel_loop3A_350 = arith.mulf %parallel_loop3A_328, %parallel_loop3A_346 : vector<16xf32>
          tpu.vector_store_idx %arg9[%parallel_loop3A_316], %parallel_loop3A_350 {add = true} : memref<51336xf32, #tpu.memory_space<vmem>>[vector<16xi32>], vector<16xf32>,
          %parallel_loop3A_351 = arith.mulf %parallel_loop3A_328, %parallel_loop3A_347 : vector<16xf32>
          tpu.vector_store_idx %arg9[%parallel_loop3A_339], %parallel_loop3A_351 {add = true} : memref<51336xf32, #tpu.memory_space<vmem>>[vector<16xi32>], vector<16xf32>,
          %parallel_loop3A_352 = arith.mulf %parallel_loop3A_328, %parallel_loop3A_348 : vector<16xf32>
          tpu.vector_store_idx %arg9[%parallel_loop3A_342], %parallel_loop3A_352 {add = true} : memref<51336xf32, #tpu.memory_space<vmem>>[vector<16xi32>], vector<16xf32>,
          %parallel_loop3A_353 = arith.mulf %parallel_loop3A_328, %parallel_loop3A_349 : vector<16xf32>
          tpu.vector_store_idx %arg9[%parallel_loop3A_345], %parallel_loop3A_353 {add = true} : memref<51336xf32, #tpu.memory_space<vmem>>[vector<16xi32>], vector<16xf32>,
          %parallel_loop3A_354 = arith.mulf %parallel_loop3A_332, %parallel_loop3A_346 : vector<16xf32>
          tpu.vector_store_idx %arg10[%parallel_loop3A_316], %parallel_loop3A_354 {add = true} : memref<51336xf32, #tpu.memory_space<vmem>>[vector<16xi32>], vector<16xf32>,
          %parallel_loop3A_355 = arith.mulf %parallel_loop3A_332, %parallel_loop3A_347 : vector<16xf32>
          tpu.vector_store_idx %arg10[%parallel_loop3A_339], %parallel_loop3A_355 {add = true} : memref<51336xf32, #tpu.memory_space<vmem>>[vector<16xi32>], vector<16xf32>,
          %parallel_loop3A_356 = arith.mulf %parallel_loop3A_332, %parallel_loop3A_348 : vector<16xf32>
          tpu.vector_store_idx %arg10[%parallel_loop3A_342], %parallel_loop3A_356 {add = true} : memref<51336xf32, #tpu.memory_space<vmem>>[vector<16xi32>], vector<16xf32>,
          %parallel_loop3A_357 = arith.mulf %parallel_loop3A_332, %parallel_loop3A_349 : vector<16xf32>
          tpu.vector_store_idx %arg10[%parallel_loop3A_345], %parallel_loop3A_357 {add = true} : memref<51336xf32, #tpu.memory_space<vmem>>[vector<16xi32>], vector<16xf32>,
          %parallel_loop3A_358 = arith.constant 32 : i32
          %parallel_loop3A_359 = arith.muli %parallel_loop3A_309, %parallel_loop3A_358 : i32
          %parallel_loop3A_360 = arith.constant 16 : i32
          %parallel_loop3A_361 = arith.addi %parallel_loop3A_359, %parallel_loop3A_360 : i32
          %parallel_loop3A_362 = arith.index_cast %parallel_loop3A_361 : i32 to index
          %parallel_loop3A_363 = tpu.vector_load %arg11[%parallel_loop3A_362] {strides = array<i32>} : memref<8960xf32, #tpu.memory_space<vmem>>, vector<16xf32>,
          %parallel_loop3A_364 = vector.bitcast %parallel_loop3A_363 : vector<16xf32> to vector<16xi32>
          %parallel_loop3A_365 = arith.constant 1792 : i32
          %parallel_loop3A_366 = arith.addi %parallel_loop3A_365, %parallel_loop3A_361 : i32
          %parallel_loop3A_367 = arith.index_cast %parallel_loop3A_366 : i32 to index
          %parallel_loop3A_368 = tpu.vector_load %arg11[%parallel_loop3A_367] {strides = array<i32>} : memref<8960xf32, #tpu.memory_space<vmem>>, vector<16xf32>,
          %parallel_loop3A_369 = arith.constant 3584 : i32
          %parallel_loop3A_370 = arith.addi %parallel_loop3A_369, %parallel_loop3A_361 : i32
          %parallel_loop3A_371 = arith.index_cast %parallel_loop3A_370 : i32 to index
          %parallel_loop3A_372 = tpu.vector_load %arg11[%parallel_loop3A_371] {strides = array<i32>} : memref<8960xf32, #tpu.memory_space<vmem>>, vector<16xf32>,
          %parallel_loop3A_373 = arith.constant 5376 : i32
          %parallel_loop3A_374 = arith.addi %parallel_loop3A_373, %parallel_loop3A_361 : i32
          %parallel_loop3A_375 = arith.index_cast %parallel_loop3A_374 : i32 to index
          %parallel_loop3A_376 = tpu.vector_load %arg11[%parallel_loop3A_375] {strides = array<i32>} : memref<8960xf32, #tpu.memory_space<vmem>>, vector<16xf32>,
          %parallel_loop3A_377 = arith.constant 7168 : i32
          %parallel_loop3A_378 = arith.addi %parallel_loop3A_377, %parallel_loop3A_361 : i32
          %parallel_loop3A_379 = arith.index_cast %parallel_loop3A_378 : i32 to index
          %parallel_loop3A_380 = tpu.vector_load %arg11[%parallel_loop3A_379] {strides = array<i32>} : memref<8960xf32, #tpu.memory_space<vmem>>, vector<16xf32>,
          %parallel_loop3A_381 = vector.broadcast %scan3A_44 : f32 to vector<16xf32>
          %parallel_loop3A_382 = arith.subf %parallel_loop3A_381, %parallel_loop3A_368 : vector<16xf32>
          %parallel_loop3A_383 = vector.broadcast %scan3A_44 : f32 to vector<16xf32>
          %parallel_loop3A_384 = arith.subf %parallel_loop3A_383, %parallel_loop3A_372 : vector<16xf32>
          %parallel_loop3A_385 = arith.constant 1 : i32
          %parallel_loop3A_386 = vector.broadcast %parallel_loop3A_385 : i32 to vector<16xi32>
          %parallel_loop3A_387 = arith.addi %parallel_loop3A_364, %parallel_loop3A_386 : vector<16xi32>
          %parallel_loop3A_388 = arith.constant 226 : i32
          %parallel_loop3A_389 = vector.broadcast %parallel_loop3A_388 : i32 to vector<16xi32>
          %parallel_loop3A_390 = arith.addi %parallel_loop3A_364, %parallel_loop3A_389 : vector<16xi32>
          %parallel_loop3A_391 = arith.constant 227 : i32
          %parallel_loop3A_392 = vector.broadcast %parallel_loop3A_391 : i32 to vector<16xi32>
          %parallel_loop3A_393 = arith.addi %parallel_loop3A_364, %parallel_loop3A_392 : vector<16xi32>
          %parallel_loop3A_394 = arith.mulf %parallel_loop3A_368, %parallel_loop3A_372 : vector<16xf32>
          %parallel_loop3A_395 = arith.mulf %parallel_loop3A_368, %parallel_loop3A_384 : vector<16xf32>
          %parallel_loop3A_396 = arith.mulf %parallel_loop3A_382, %parallel_loop3A_372 : vector<16xf32>
          %parallel_loop3A_397 = arith.mulf %parallel_loop3A_382, %parallel_loop3A_384 : vector<16xf32>
          %parallel_loop3A_398 = arith.mulf %parallel_loop3A_376, %parallel_loop3A_394 : vector<16xf32>
          tpu.vector_store_idx %arg9[%parallel_loop3A_364], %parallel_loop3A_398 {add = true} : memref<51336xf32, #tpu.memory_space<vmem>>[vector<16xi32>], vector<16xf32>,
          %parallel_loop3A_399 = arith.mulf %parallel_loop3A_376, %parallel_loop3A_395 : vector<16xf32>
          tpu.vector_store_idx %arg9[%parallel_loop3A_387], %parallel_loop3A_399 {add = true} : memref<51336xf32, #tpu.memory_space<vmem>>[vector<16xi32>], vector<16xf32>,
          %parallel_loop3A_400 = arith.mulf %parallel_loop3A_376, %parallel_loop3A_396 : vector<16xf32>
          tpu.vector_store_idx %arg9[%parallel_loop3A_390], %parallel_loop3A_400 {add = true} : memref<51336xf32, #tpu.memory_space<vmem>>[vector<16xi32>], vector<16xf32>,
          %parallel_loop3A_401 = arith.mulf %parallel_loop3A_376, %parallel_loop3A_397 : vector<16xf32>
          tpu.vector_store_idx %arg9[%parallel_loop3A_393], %parallel_loop3A_401 {add = true} : memref<51336xf32, #tpu.memory_space<vmem>>[vector<16xi32>], vector<16xf32>,
          %parallel_loop3A_402 = arith.mulf %parallel_loop3A_380, %parallel_loop3A_394 : vector<16xf32>
          tpu.vector_store_idx %arg10[%parallel_loop3A_364], %parallel_loop3A_402 {add = true} : memref<51336xf32, #tpu.memory_space<vmem>>[vector<16xi32>], vector<16xf32>,
          %parallel_loop3A_403 = arith.mulf %parallel_loop3A_380, %parallel_loop3A_395 : vector<16xf32>
          tpu.vector_store_idx %arg10[%parallel_loop3A_387], %parallel_loop3A_403 {add = true} : memref<51336xf32, #tpu.memory_space<vmem>>[vector<16xi32>], vector<16xf32>,
          %parallel_loop3A_404 = arith.mulf %parallel_loop3A_380, %parallel_loop3A_396 : vector<16xf32>
          tpu.vector_store_idx %arg10[%parallel_loop3A_390], %parallel_loop3A_404 {add = true} : memref<51336xf32, #tpu.memory_space<vmem>>[vector<16xi32>], vector<16xf32>,
          %parallel_loop3A_405 = arith.mulf %parallel_loop3A_380, %parallel_loop3A_397 : vector<16xf32>
          tpu.vector_store_idx %arg10[%parallel_loop3A_393], %parallel_loop3A_405 {add = true} : memref<51336xf32, #tpu.memory_space<vmem>>[vector<16xi32>], vector<16xf32>,
        } {sc.loop_unroll_factor = 1 : i64, sc.parallel_access}
        %dma_wait3A_260 = arith.constant 0 : i32
        %dma_wait3A_261 = tpu.memref_slice %arg12[%dma_wait3A_260] : memref<8960xf32, #tpu.memory_space<vmem>> -> memref<1792xf32, #tpu.memory_space<vmem>>
        %dma_wait3A_262 = arith.constant 0 : i32
        %dma_wait3A_263 = tpu.memref_slice %arg6[%dma_wait3A_262] : memref<200704xf32, #tpu.memory_space<hbm>> -> memref<1792xf32, #tpu.memory_space<hbm>>
        %dma_wait3A_264 = arith.constant 0 : i32
        %dma_wait3A_265 = tpu.memref_slice %arg12[%dma_wait3A_264] : memref<8960xf32, #tpu.memory_space<vmem>> -> memref<1792xf32, #tpu.memory_space<vmem>>
        %dma_wait3A_266 = arith.constant 0 : i32
        %dma_wait3A_267 = tpu.memref_slice %arg6[%dma_wait3A_266] : memref<200704xf32, #tpu.memory_space<hbm>> -> memref<1792xf32, #tpu.memory_space<hbm>>
        tpu.wait_dma2 semaphore(%arg14 : memref<!tpu.dma_semaphore, #tpu.memory_space<semaphore_mem>>) src(%dma_wait3A_267 : memref<1792xf32, #tpu.memory_space<hbm>>) dst(%dma_wait3A_265 : memref<1792xf32, #tpu.memory_space<vmem>>)
        %dma_wait3A_268 = arith.constant 1792 : i32
        %dma_wait3A_269 = tpu.memref_slice %arg12[%dma_wait3A_268] : memref<8960xf32, #tpu.memory_space<vmem>> -> memref<1792xf32, #tpu.memory_space<vmem>>
        %dma_wait3A_270 = arith.constant 0 : i32
        %dma_wait3A_271 = tpu.memref_slice %arg6[%dma_wait3A_270] : memref<200704xf32, #tpu.memory_space<hbm>> -> memref<1792xf32, #tpu.memory_space<hbm>>
        %dma_wait3A_272 = arith.constant 1792 : i32
        %dma_wait3A_273 = tpu.memref_slice %arg12[%dma_wait3A_272] : memref<8960xf32, #tpu.memory_space<vmem>> -> memref<1792xf32, #tpu.memory_space<vmem>>
        %dma_wait3A_274 = arith.constant 0 : i32
        %dma_wait3A_275 = tpu.memref_slice %arg6[%dma_wait3A_274] : memref<200704xf32, #tpu.memory_space<hbm>> -> memref<1792xf32, #tpu.memory_space<hbm>>
        tpu.wait_dma2 semaphore(%arg14 : memref<!tpu.dma_semaphore, #tpu.memory_space<semaphore_mem>>) src(%dma_wait3A_275 : memref<1792xf32, #tpu.memory_space<hbm>>) dst(%dma_wait3A_273 : memref<1792xf32, #tpu.memory_space<vmem>>)
        %dma_wait3A_276 = arith.constant 3584 : i32
        %dma_wait3A_277 = tpu.memref_slice %arg12[%dma_wait3A_276] : memref<8960xf32, #tpu.memory_space<vmem>> -> memref<1792xf32, #tpu.memory_space<vmem>>
        %dma_wait3A_278 = arith.constant 0 : i32
        %dma_wait3A_279 = tpu.memref_slice %arg6[%dma_wait3A_278] : memref<200704xf32, #tpu.memory_space<hbm>> -> memref<1792xf32, #tpu.memory_space<hbm>>
        %dma_wait3A_280 = arith.constant 3584 : i32
        %dma_wait3A_281 = tpu.memref_slice %arg12[%dma_wait3A_280] : memref<8960xf32, #tpu.memory_space<vmem>> -> memref<1792xf32, #tpu.memory_space<vmem>>
        %dma_wait3A_282 = arith.constant 0 : i32
        %dma_wait3A_283 = tpu.memref_slice %arg6[%dma_wait3A_282] : memref<200704xf32, #tpu.memory_space<hbm>> -> memref<1792xf32, #tpu.memory_space<hbm>>
        tpu.wait_dma2 semaphore(%arg14 : memref<!tpu.dma_semaphore, #tpu.memory_space<semaphore_mem>>) src(%dma_wait3A_283 : memref<1792xf32, #tpu.memory_space<hbm>>) dst(%dma_wait3A_281 : memref<1792xf32, #tpu.memory_space<vmem>>)
        %dma_wait3A_284 = arith.constant 5376 : i32
        %dma_wait3A_285 = tpu.memref_slice %arg12[%dma_wait3A_284] : memref<8960xf32, #tpu.memory_space<vmem>> -> memref<1792xf32, #tpu.memory_space<vmem>>
        %dma_wait3A_286 = arith.constant 0 : i32
        %dma_wait3A_287 = tpu.memref_slice %arg6[%dma_wait3A_286] : memref<200704xf32, #tpu.memory_space<hbm>> -> memref<1792xf32, #tpu.memory_space<hbm>>
        %dma_wait3A_288 = arith.constant 5376 : i32
        %dma_wait3A_289 = tpu.memref_slice %arg12[%dma_wait3A_288] : memref<8960xf32, #tpu.memory_space<vmem>> -> memref<1792xf32, #tpu.memory_space<vmem>>
        %dma_wait3A_290 = arith.constant 0 : i32
        %dma_wait3A_291 = tpu.memref_slice %arg6[%dma_wait3A_290] : memref<200704xf32, #tpu.memory_space<hbm>> -> memref<1792xf32, #tpu.memory_space<hbm>>
        tpu.wait_dma2 semaphore(%arg14 : memref<!tpu.dma_semaphore, #tpu.memory_space<semaphore_mem>>) src(%dma_wait3A_291 : memref<1792xf32, #tpu.memory_space<hbm>>) dst(%dma_wait3A_289 : memref<1792xf32, #tpu.memory_space<vmem>>)
        %dma_wait3A_292 = arith.constant 7168 : i32
        %dma_wait3A_293 = tpu.memref_slice %arg12[%dma_wait3A_292] : memref<8960xf32, #tpu.memory_space<vmem>> -> memref<1792xf32, #tpu.memory_space<vmem>>
        %dma_wait3A_294 = arith.constant 0 : i32
        %dma_wait3A_295 = tpu.memref_slice %arg6[%dma_wait3A_294] : memref<200704xf32, #tpu.memory_space<hbm>> -> memref<1792xf32, #tpu.memory_space<hbm>>
        %dma_wait3A_296 = arith.constant 7168 : i32
        %dma_wait3A_297 = tpu.memref_slice %arg12[%dma_wait3A_296] : memref<8960xf32, #tpu.memory_space<vmem>> -> memref<1792xf32, #tpu.memory_space<vmem>>
        %dma_wait3A_298 = arith.constant 0 : i32
        %dma_wait3A_299 = tpu.memref_slice %arg6[%dma_wait3A_298] : memref<200704xf32, #tpu.memory_space<hbm>> -> memref<1792xf32, #tpu.memory_space<hbm>>
        tpu.wait_dma2 semaphore(%arg14 : memref<!tpu.dma_semaphore, #tpu.memory_space<semaphore_mem>>) src(%dma_wait3A_299 : memref<1792xf32, #tpu.memory_space<hbm>>) dst(%dma_wait3A_297 : memref<1792xf32, #tpu.memory_space<vmem>>)
        %lt3A_300 = arith.constant 13 : i32
        %lt3A_301 = arith.cmpi slt, %scan3A_171, %lt3A_300 : i32
        %convert_element_type3A_302 = arith.extui %lt3A_301 : i1 to i32
        %cond3A_303 = arith.constant 0 : i32
        %cond3A_304 = arith.cmpi ne, %convert_element_type3A_302, %cond3A_303 : i32
        scf.if %cond3A_304 {
          %add3A_309 = arith.constant 2 : i32
          %add3A_310 = arith.addi %mul3A_174, %add3A_309 : i32
          %mul3A_311 = arith.constant 1792 : i32
          %mul3A_312 = arith.muli %add3A_310, %mul3A_311 : i32
          %mul3A_313 = arith.constant 50176 : i32
          %mul3A_314 = arith.muli %select_n3A, %mul3A_313 : i32
          %add3A_315 = arith.addi %mul3A_314, %mul3A_312 : i32
          %dma_start3A_316 = arith.constant 0 : i32
          %dma_start3A_317 = tpu.memref_slice %arg11[%dma_start3A_316] : memref<8960xf32, #tpu.memory_space<vmem>> -> memref<1792xf32, #tpu.memory_space<vmem>>
          %dma_start3A_318 = tpu.memref_slice %arg6[%add3A_315] : memref<200704xf32, #tpu.memory_space<hbm>> -> memref<1792xf32, #tpu.memory_space<hbm>>
          %dma_start3A_319 = arith.constant 0 : i32
          %dma_start3A_320 = tpu.memref_slice %arg11[%dma_start3A_319] : memref<8960xf32, #tpu.memory_space<vmem>> -> memref<1792xf32, #tpu.memory_space<vmem>>
          %dma_start3A_321 = tpu.memref_slice %arg6[%add3A_315] : memref<200704xf32, #tpu.memory_space<hbm>> -> memref<1792xf32, #tpu.memory_space<hbm>>
          tpu.enqueue_dma source(%dma_start3A_321 : memref<1792xf32, #tpu.memory_space<hbm>>) target(%dma_start3A_320 : memref<1792xf32, #tpu.memory_space<vmem>>) target_semaphore(%arg13 : memref<!tpu.dma_semaphore, #tpu.memory_space<semaphore_mem>>)
          %dma_start3A_322 = arith.constant 1792 : i32
          %dma_start3A_323 = tpu.memref_slice %arg11[%dma_start3A_322] : memref<8960xf32, #tpu.memory_space<vmem>> -> memref<1792xf32, #tpu.memory_space<vmem>>
          %dma_start3A_324 = tpu.memref_slice %arg7[%add3A_315] : memref<200704xf32, #tpu.memory_space<hbm>> -> memref<1792xf32, #tpu.memory_space<hbm>>
          %dma_start3A_325 = arith.constant 1792 : i32
          %dma_start3A_326 = tpu.memref_slice %arg11[%dma_start3A_325] : memref<8960xf32, #tpu.memory_space<vmem>> -> memref<1792xf32, #tpu.memory_space<vmem>>
          %dma_start3A_327 = tpu.memref_slice %arg7[%add3A_315] : memref<200704xf32, #tpu.memory_space<hbm>> -> memref<1792xf32, #tpu.memory_space<hbm>>
          tpu.enqueue_dma source(%dma_start3A_327 : memref<1792xf32, #tpu.memory_space<hbm>>) target(%dma_start3A_326 : memref<1792xf32, #tpu.memory_space<vmem>>) target_semaphore(%arg13 : memref<!tpu.dma_semaphore, #tpu.memory_space<semaphore_mem>>)
          %dma_start3A_328 = arith.constant 3584 : i32
          %dma_start3A_329 = tpu.memref_slice %arg11[%dma_start3A_328] : memref<8960xf32, #tpu.memory_space<vmem>> -> memref<1792xf32, #tpu.memory_space<vmem>>
          %dma_start3A_330 = tpu.memref_slice %arg8[%add3A_315] : memref<200704xf32, #tpu.memory_space<hbm>> -> memref<1792xf32, #tpu.memory_space<hbm>>
          %dma_start3A_331 = arith.constant 3584 : i32
          %dma_start3A_332 = tpu.memref_slice %arg11[%dma_start3A_331] : memref<8960xf32, #tpu.memory_space<vmem>> -> memref<1792xf32, #tpu.memory_space<vmem>>
          %dma_start3A_333 = tpu.memref_slice %arg8[%add3A_315] : memref<200704xf32, #tpu.memory_space<hbm>> -> memref<1792xf32, #tpu.memory_space<hbm>>
          tpu.enqueue_dma source(%dma_start3A_333 : memref<1792xf32, #tpu.memory_space<hbm>>) target(%dma_start3A_332 : memref<1792xf32, #tpu.memory_space<vmem>>) target_semaphore(%arg13 : memref<!tpu.dma_semaphore, #tpu.memory_space<semaphore_mem>>)
          %mul3A_334 = arith.constant 50176 : i32
          %mul3A_335 = arith.muli %add3A_86, %mul3A_334 : i32
          %add3A_336 = arith.addi %mul3A_335, %mul3A_312 : i32
          %dma_start3A_337 = arith.constant 5376 : i32
          %dma_start3A_338 = tpu.memref_slice %arg11[%dma_start3A_337] : memref<8960xf32, #tpu.memory_space<vmem>> -> memref<1792xf32, #tpu.memory_space<vmem>>
          %dma_start3A_339 = tpu.memref_slice %arg2[%add3A_336] : memref<19267584xf32, #tpu.memory_space<hbm>> -> memref<1792xf32, #tpu.memory_space<hbm>>
          %dma_start3A_340 = arith.constant 5376 : i32
          %dma_start3A_341 = tpu.memref_slice %arg11[%dma_start3A_340] : memref<8960xf32, #tpu.memory_space<vmem>> -> memref<1792xf32, #tpu.memory_space<vmem>>
          %dma_start3A_342 = tpu.memref_slice %arg2[%add3A_336] : memref<19267584xf32, #tpu.memory_space<hbm>> -> memref<1792xf32, #tpu.memory_space<hbm>>
          tpu.enqueue_dma source(%dma_start3A_342 : memref<1792xf32, #tpu.memory_space<hbm>>) target(%dma_start3A_341 : memref<1792xf32, #tpu.memory_space<vmem>>) target_semaphore(%arg13 : memref<!tpu.dma_semaphore, #tpu.memory_space<semaphore_mem>>)
          %mul3A_343 = arith.constant 50176 : i32
          %mul3A_344 = arith.muli %add3A_88, %mul3A_343 : i32
          %add3A_345 = arith.addi %mul3A_344, %mul3A_312 : i32
          %dma_start3A_346 = arith.constant 7168 : i32
          %dma_start3A_347 = tpu.memref_slice %arg11[%dma_start3A_346] : memref<8960xf32, #tpu.memory_space<vmem>> -> memref<1792xf32, #tpu.memory_space<vmem>>
          %dma_start3A_348 = tpu.memref_slice %arg2[%add3A_345] : memref<19267584xf32, #tpu.memory_space<hbm>> -> memref<1792xf32, #tpu.memory_space<hbm>>
          %dma_start3A_349 = arith.constant 7168 : i32
          %dma_start3A_350 = tpu.memref_slice %arg11[%dma_start3A_349] : memref<8960xf32, #tpu.memory_space<vmem>> -> memref<1792xf32, #tpu.memory_space<vmem>>
          %dma_start3A_351 = tpu.memref_slice %arg2[%add3A_345] : memref<19267584xf32, #tpu.memory_space<hbm>> -> memref<1792xf32, #tpu.memory_space<hbm>>
          tpu.enqueue_dma source(%dma_start3A_351 : memref<1792xf32, #tpu.memory_space<hbm>>) target(%dma_start3A_350 : memref<1792xf32, #tpu.memory_space<vmem>>) target_semaphore(%arg13 : memref<!tpu.dma_semaphore, #tpu.memory_space<semaphore_mem>>)
        } else {
        }
        %parallel_loop3A_305 = arith.constant 0 : i32
        %parallel_loop3A_306 = arith.constant 56 : i32
        %parallel_loop3A_307 = arith.constant 1 : i32
        scf.for %parallel_loop3A_309 = %parallel_loop3A_305 to %parallel_loop3A_306 step %parallel_loop3A_307  : i32 {
          %parallel_loop3A_310 = arith.constant 32 : i32
          %parallel_loop3A_311 = arith.muli %parallel_loop3A_309, %parallel_loop3A_310 : i32
          %parallel_loop3A_312 = arith.constant 0 : i32
          %parallel_loop3A_313 = arith.addi %parallel_loop3A_311, %parallel_loop3A_312 : i32
          %parallel_loop3A_314 = arith.index_cast %parallel_loop3A_313 : i32 to index
          %parallel_loop3A_315 = tpu.vector_load %arg12[%parallel_loop3A_314] {strides = array<i32>} : memref<8960xf32, #tpu.memory_space<vmem>>, vector<16xf32>,
          %parallel_loop3A_316 = vector.bitcast %parallel_loop3A_315 : vector<16xf32> to vector<16xi32>
          %parallel_loop3A_317 = arith.constant 1792 : i32
          %parallel_loop3A_318 = arith.addi %parallel_loop3A_317, %parallel_loop3A_313 : i32
          %parallel_loop3A_319 = arith.index_cast %parallel_loop3A_318 : i32 to index
          %parallel_loop3A_320 = tpu.vector_load %arg12[%parallel_loop3A_319] {strides = array<i32>} : memref<8960xf32, #tpu.memory_space<vmem>>, vector<16xf32>,
          %parallel_loop3A_321 = arith.constant 3584 : i32
          %parallel_loop3A_322 = arith.addi %parallel_loop3A_321, %parallel_loop3A_313 : i32
          %parallel_loop3A_323 = arith.index_cast %parallel_loop3A_322 : i32 to index
          %parallel_loop3A_324 = tpu.vector_load %arg12[%parallel_loop3A_323] {strides = array<i32>} : memref<8960xf32, #tpu.memory_space<vmem>>, vector<16xf32>,
          %parallel_loop3A_325 = arith.constant 5376 : i32
          %parallel_loop3A_326 = arith.addi %parallel_loop3A_325, %parallel_loop3A_313 : i32
          %parallel_loop3A_327 = arith.index_cast %parallel_loop3A_326 : i32 to index
          %parallel_loop3A_328 = tpu.vector_load %arg12[%parallel_loop3A_327] {strides = array<i32>} : memref<8960xf32, #tpu.memory_space<vmem>>, vector<16xf32>,
          %parallel_loop3A_329 = arith.constant 7168 : i32
          %parallel_loop3A_330 = arith.addi %parallel_loop3A_329, %parallel_loop3A_313 : i32
          %parallel_loop3A_331 = arith.index_cast %parallel_loop3A_330 : i32 to index
          %parallel_loop3A_332 = tpu.vector_load %arg12[%parallel_loop3A_331] {strides = array<i32>} : memref<8960xf32, #tpu.memory_space<vmem>>, vector<16xf32>,
          %parallel_loop3A_333 = vector.broadcast %scan3A_44 : f32 to vector<16xf32>
          %parallel_loop3A_334 = arith.subf %parallel_loop3A_333, %parallel_loop3A_320 : vector<16xf32>
          %parallel_loop3A_335 = vector.broadcast %scan3A_44 : f32 to vector<16xf32>
          %parallel_loop3A_336 = arith.subf %parallel_loop3A_335, %parallel_loop3A_324 : vector<16xf32>
          %parallel_loop3A_337 = arith.constant 1 : i32
          %parallel_loop3A_338 = vector.broadcast %parallel_loop3A_337 : i32 to vector<16xi32>
          %parallel_loop3A_339 = arith.addi %parallel_loop3A_316, %parallel_loop3A_338 : vector<16xi32>
          %parallel_loop3A_340 = arith.constant 226 : i32
          %parallel_loop3A_341 = vector.broadcast %parallel_loop3A_340 : i32 to vector<16xi32>
          %parallel_loop3A_342 = arith.addi %parallel_loop3A_316, %parallel_loop3A_341 : vector<16xi32>
          %parallel_loop3A_343 = arith.constant 227 : i32
          %parallel_loop3A_344 = vector.broadcast %parallel_loop3A_343 : i32 to vector<16xi32>
          %parallel_loop3A_345 = arith.addi %parallel_loop3A_316, %parallel_loop3A_344 : vector<16xi32>
          %parallel_loop3A_346 = arith.mulf %parallel_loop3A_320, %parallel_loop3A_324 : vector<16xf32>
          %parallel_loop3A_347 = arith.mulf %parallel_loop3A_320, %parallel_loop3A_336 : vector<16xf32>
          %parallel_loop3A_348 = arith.mulf %parallel_loop3A_334, %parallel_loop3A_324 : vector<16xf32>
          %parallel_loop3A_349 = arith.mulf %parallel_loop3A_334, %parallel_loop3A_336 : vector<16xf32>
          %parallel_loop3A_350 = arith.mulf %parallel_loop3A_328, %parallel_loop3A_346 : vector<16xf32>
          tpu.vector_store_idx %arg9[%parallel_loop3A_316], %parallel_loop3A_350 {add = true} : memref<51336xf32, #tpu.memory_space<vmem>>[vector<16xi32>], vector<16xf32>,
          %parallel_loop3A_351 = arith.mulf %parallel_loop3A_328, %parallel_loop3A_347 : vector<16xf32>
          tpu.vector_store_idx %arg9[%parallel_loop3A_339], %parallel_loop3A_351 {add = true} : memref<51336xf32, #tpu.memory_space<vmem>>[vector<16xi32>], vector<16xf32>,
          %parallel_loop3A_352 = arith.mulf %parallel_loop3A_328, %parallel_loop3A_348 : vector<16xf32>
          tpu.vector_store_idx %arg9[%parallel_loop3A_342], %parallel_loop3A_352 {add = true} : memref<51336xf32, #tpu.memory_space<vmem>>[vector<16xi32>], vector<16xf32>,
          %parallel_loop3A_353 = arith.mulf %parallel_loop3A_328, %parallel_loop3A_349 : vector<16xf32>
          tpu.vector_store_idx %arg9[%parallel_loop3A_345], %parallel_loop3A_353 {add = true} : memref<51336xf32, #tpu.memory_space<vmem>>[vector<16xi32>], vector<16xf32>,
          %parallel_loop3A_354 = arith.mulf %parallel_loop3A_332, %parallel_loop3A_346 : vector<16xf32>
          tpu.vector_store_idx %arg10[%parallel_loop3A_316], %parallel_loop3A_354 {add = true} : memref<51336xf32, #tpu.memory_space<vmem>>[vector<16xi32>], vector<16xf32>,
          %parallel_loop3A_355 = arith.mulf %parallel_loop3A_332, %parallel_loop3A_347 : vector<16xf32>
          tpu.vector_store_idx %arg10[%parallel_loop3A_339], %parallel_loop3A_355 {add = true} : memref<51336xf32, #tpu.memory_space<vmem>>[vector<16xi32>], vector<16xf32>,
          %parallel_loop3A_356 = arith.mulf %parallel_loop3A_332, %parallel_loop3A_348 : vector<16xf32>
          tpu.vector_store_idx %arg10[%parallel_loop3A_342], %parallel_loop3A_356 {add = true} : memref<51336xf32, #tpu.memory_space<vmem>>[vector<16xi32>], vector<16xf32>,
          %parallel_loop3A_357 = arith.mulf %parallel_loop3A_332, %parallel_loop3A_349 : vector<16xf32>
          tpu.vector_store_idx %arg10[%parallel_loop3A_345], %parallel_loop3A_357 {add = true} : memref<51336xf32, #tpu.memory_space<vmem>>[vector<16xi32>], vector<16xf32>,
          %parallel_loop3A_358 = arith.constant 32 : i32
          %parallel_loop3A_359 = arith.muli %parallel_loop3A_309, %parallel_loop3A_358 : i32
          %parallel_loop3A_360 = arith.constant 16 : i32
          %parallel_loop3A_361 = arith.addi %parallel_loop3A_359, %parallel_loop3A_360 : i32
          %parallel_loop3A_362 = arith.index_cast %parallel_loop3A_361 : i32 to index
          %parallel_loop3A_363 = tpu.vector_load %arg12[%parallel_loop3A_362] {strides = array<i32>} : memref<8960xf32, #tpu.memory_space<vmem>>, vector<16xf32>,
          %parallel_loop3A_364 = vector.bitcast %parallel_loop3A_363 : vector<16xf32> to vector<16xi32>
          %parallel_loop3A_365 = arith.constant 1792 : i32
          %parallel_loop3A_366 = arith.addi %parallel_loop3A_365, %parallel_loop3A_361 : i32
          %parallel_loop3A_367 = arith.index_cast %parallel_loop3A_366 : i32 to index
          %parallel_loop3A_368 = tpu.vector_load %arg12[%parallel_loop3A_367] {strides = array<i32>} : memref<8960xf32, #tpu.memory_space<vmem>>, vector<16xf32>,
          %parallel_loop3A_369 = arith.constant 3584 : i32
          %parallel_loop3A_370 = arith.addi %parallel_loop3A_369, %parallel_loop3A_361 : i32
          %parallel_loop3A_371 = arith.index_cast %parallel_loop3A_370 : i32 to index
          %parallel_loop3A_372 = tpu.vector_load %arg12[%parallel_loop3A_371] {strides = array<i32>} : memref<8960xf32, #tpu.memory_space<vmem>>, vector<16xf32>,
          %parallel_loop3A_373 = arith.constant 5376 : i32
          %parallel_loop3A_374 = arith.addi %parallel_loop3A_373, %parallel_loop3A_361 : i32
          %parallel_loop3A_375 = arith.index_cast %parallel_loop3A_374 : i32 to index
          %parallel_loop3A_376 = tpu.vector_load %arg12[%parallel_loop3A_375] {strides = array<i32>} : memref<8960xf32, #tpu.memory_space<vmem>>, vector<16xf32>,
          %parallel_loop3A_377 = arith.constant 7168 : i32
          %parallel_loop3A_378 = arith.addi %parallel_loop3A_377, %parallel_loop3A_361 : i32
          %parallel_loop3A_379 = arith.index_cast %parallel_loop3A_378 : i32 to index
          %parallel_loop3A_380 = tpu.vector_load %arg12[%parallel_loop3A_379] {strides = array<i32>} : memref<8960xf32, #tpu.memory_space<vmem>>, vector<16xf32>,
          %parallel_loop3A_381 = vector.broadcast %scan3A_44 : f32 to vector<16xf32>
          %parallel_loop3A_382 = arith.subf %parallel_loop3A_381, %parallel_loop3A_368 : vector<16xf32>
          %parallel_loop3A_383 = vector.broadcast %scan3A_44 : f32 to vector<16xf32>
          %parallel_loop3A_384 = arith.subf %parallel_loop3A_383, %parallel_loop3A_372 : vector<16xf32>
          %parallel_loop3A_385 = arith.constant 1 : i32
          %parallel_loop3A_386 = vector.broadcast %parallel_loop3A_385 : i32 to vector<16xi32>
          %parallel_loop3A_387 = arith.addi %parallel_loop3A_364, %parallel_loop3A_386 : vector<16xi32>
          %parallel_loop3A_388 = arith.constant 226 : i32
          %parallel_loop3A_389 = vector.broadcast %parallel_loop3A_388 : i32 to vector<16xi32>
          %parallel_loop3A_390 = arith.addi %parallel_loop3A_364, %parallel_loop3A_389 : vector<16xi32>
          %parallel_loop3A_391 = arith.constant 227 : i32
          %parallel_loop3A_392 = vector.broadcast %parallel_loop3A_391 : i32 to vector<16xi32>
          %parallel_loop3A_393 = arith.addi %parallel_loop3A_364, %parallel_loop3A_392 : vector<16xi32>
          %parallel_loop3A_394 = arith.mulf %parallel_loop3A_368, %parallel_loop3A_372 : vector<16xf32>
          %parallel_loop3A_395 = arith.mulf %parallel_loop3A_368, %parallel_loop3A_384 : vector<16xf32>
          %parallel_loop3A_396 = arith.mulf %parallel_loop3A_382, %parallel_loop3A_372 : vector<16xf32>
          %parallel_loop3A_397 = arith.mulf %parallel_loop3A_382, %parallel_loop3A_384 : vector<16xf32>
          %parallel_loop3A_398 = arith.mulf %parallel_loop3A_376, %parallel_loop3A_394 : vector<16xf32>
          tpu.vector_store_idx %arg9[%parallel_loop3A_364], %parallel_loop3A_398 {add = true} : memref<51336xf32, #tpu.memory_space<vmem>>[vector<16xi32>], vector<16xf32>,
          %parallel_loop3A_399 = arith.mulf %parallel_loop3A_376, %parallel_loop3A_395 : vector<16xf32>
          tpu.vector_store_idx %arg9[%parallel_loop3A_387], %parallel_loop3A_399 {add = true} : memref<51336xf32, #tpu.memory_space<vmem>>[vector<16xi32>], vector<16xf32>,
          %parallel_loop3A_400 = arith.mulf %parallel_loop3A_376, %parallel_loop3A_396 : vector<16xf32>
          tpu.vector_store_idx %arg9[%parallel_loop3A_390], %parallel_loop3A_400 {add = true} : memref<51336xf32, #tpu.memory_space<vmem>>[vector<16xi32>], vector<16xf32>,
          %parallel_loop3A_401 = arith.mulf %parallel_loop3A_376, %parallel_loop3A_397 : vector<16xf32>
          tpu.vector_store_idx %arg9[%parallel_loop3A_393], %parallel_loop3A_401 {add = true} : memref<51336xf32, #tpu.memory_space<vmem>>[vector<16xi32>], vector<16xf32>,
          %parallel_loop3A_402 = arith.mulf %parallel_loop3A_380, %parallel_loop3A_394 : vector<16xf32>
          tpu.vector_store_idx %arg10[%parallel_loop3A_364], %parallel_loop3A_402 {add = true} : memref<51336xf32, #tpu.memory_space<vmem>>[vector<16xi32>], vector<16xf32>,
          %parallel_loop3A_403 = arith.mulf %parallel_loop3A_380, %parallel_loop3A_395 : vector<16xf32>
          tpu.vector_store_idx %arg10[%parallel_loop3A_387], %parallel_loop3A_403 {add = true} : memref<51336xf32, #tpu.memory_space<vmem>>[vector<16xi32>], vector<16xf32>,
          %parallel_loop3A_404 = arith.mulf %parallel_loop3A_380, %parallel_loop3A_396 : vector<16xf32>
          tpu.vector_store_idx %arg10[%parallel_loop3A_390], %parallel_loop3A_404 {add = true} : memref<51336xf32, #tpu.memory_space<vmem>>[vector<16xi32>], vector<16xf32>,
          %parallel_loop3A_405 = arith.mulf %parallel_loop3A_380, %parallel_loop3A_397 : vector<16xf32>
          tpu.vector_store_idx %arg10[%parallel_loop3A_393], %parallel_loop3A_405 {add = true} : memref<51336xf32, #tpu.memory_space<vmem>>[vector<16xi32>], vector<16xf32>,
        } {sc.loop_unroll_factor = 1 : i64, sc.parallel_access}
        %scan3A_308 = arith.constant 0 : i32
        scf.yield %scan3A_308 : i32
      }
      %scan3A_146 = arith.constant 14 : i32
      %scan3A_147 = arith.constant 0 : i32
      %scan3A_148 = arith.constant 0 : i32
      %scan3A_149 = arith.constant 224 : i32
      %scan3A_150 = arith.addi %scan3A_148, %scan3A_149 : i32
      %scan3A_151 = arith.constant 1 : i32
      %scan3A_152 = scf.for %scan3A_171 = %scan3A_148 to %scan3A_150 step %scan3A_151 iter_args(%scan3A_172 = %scan3A_147) -> (i32)  : i32 {
        %add3A_173 = arith.constant 1 : i32
        %add3A_174 = arith.addi %scan3A_171, %add3A_173 : i32
        %mul3A_175 = arith.constant 226 : i32
        %mul3A_176 = arith.muli %add3A_174, %mul3A_175 : i32
        %add3A_177 = arith.constant 1 : i32
        %add3A_178 = arith.addi %mul3A_176, %add3A_177 : i32
        %mul3A_179 = arith.constant 224 : i32
        %mul3A_180 = arith.muli %scan3A_171, %mul3A_179 : i32
        %add3A_181 = arith.constant 0 : i32
        %add3A_182 = arith.addi %add3A_178, %add3A_181 : i32
        %get3A = arith.index_cast %add3A_182 : i32 to index
        %get3A_183 = tpu.vector_load %arg9[%get3A] {strides = array<i32>} : memref<51336xf32, #tpu.memory_space<vmem>>, vector<16xf32>,
        %add3A_184 = arith.constant 0 : i32
        %add3A_185 = arith.addi %mul3A_180, %add3A_184 : i32
        %swap3A = arith.index_cast %add3A_185 : i32 to index
        %swap3A_186 = tpu.vector_load %arg9[%swap3A] {strides = array<i32>} : memref<51336xf32, #tpu.memory_space<vmem>>, vector<16xf32>,
        tpu.vector_store %arg9[%swap3A], %get3A_183 {strides = array<i32>} : memref<51336xf32, #tpu.memory_space<vmem>>, vector<16xf32>,
        %add3A_187 = arith.constant 0 : i32
        %add3A_188 = arith.addi %add3A_178, %add3A_187 : i32
        %get3A_189 = arith.index_cast %add3A_188 : i32 to index
        %get3A_190 = tpu.vector_load %arg10[%get3A_189] {strides = array<i32>} : memref<51336xf32, #tpu.memory_space<vmem>>, vector<16xf32>,
        %add3A_191 = arith.constant 0 : i32
        %add3A_192 = arith.addi %mul3A_180, %add3A_191 : i32
        %swap3A_193 = arith.index_cast %add3A_192 : i32 to index
        %swap3A_194 = tpu.vector_load %arg10[%swap3A_193] {strides = array<i32>} : memref<51336xf32, #tpu.memory_space<vmem>>, vector<16xf32>,
        tpu.vector_store %arg10[%swap3A_193], %get3A_190 {strides = array<i32>} : memref<51336xf32, #tpu.memory_space<vmem>>, vector<16xf32>,
        %add3A_195 = arith.constant 16 : i32
        %add3A_196 = arith.addi %add3A_178, %add3A_195 : i32
        %get3A_197 = arith.index_cast %add3A_196 : i32 to index
        %get3A_198 = tpu.vector_load %arg9[%get3A_197] {strides = array<i32>} : memref<51336xf32, #tpu.memory_space<vmem>>, vector<16xf32>,
        %add3A_199 = arith.constant 16 : i32
        %add3A_200 = arith.addi %mul3A_180, %add3A_199 : i32
        %swap3A_201 = arith.index_cast %add3A_200 : i32 to index
        %swap3A_202 = tpu.vector_load %arg9[%swap3A_201] {strides = array<i32>} : memref<51336xf32, #tpu.memory_space<vmem>>, vector<16xf32>,
        tpu.vector_store %arg9[%swap3A_201], %get3A_198 {strides = array<i32>} : memref<51336xf32, #tpu.memory_space<vmem>>, vector<16xf32>,
        %add3A_203 = arith.constant 16 : i32
        %add3A_204 = arith.addi %add3A_178, %add3A_203 : i32
        %get3A_205 = arith.index_cast %add3A_204 : i32 to index
        %get3A_206 = tpu.vector_load %arg10[%get3A_205] {strides = array<i32>} : memref<51336xf32, #tpu.memory_space<vmem>>, vector<16xf32>,
        %add3A_207 = arith.constant 16 : i32
        %add3A_208 = arith.addi %mul3A_180, %add3A_207 : i32
        %swap3A_209 = arith.index_cast %add3A_208 : i32 to index
        %swap3A_210 = tpu.vector_load %arg10[%swap3A_209] {strides = array<i32>} : memref<51336xf32, #tpu.memory_space<vmem>>, vector<16xf32>,
        tpu.vector_store %arg10[%swap3A_209], %get3A_206 {strides = array<i32>} : memref<51336xf32, #tpu.memory_space<vmem>>, vector<16xf32>,
        %add3A_211 = arith.constant 32 : i32
        %add3A_212 = arith.addi %add3A_178, %add3A_211 : i32
        %get3A_213 = arith.index_cast %add3A_212 : i32 to index
        %get3A_214 = tpu.vector_load %arg9[%get3A_213] {strides = array<i32>} : memref<51336xf32, #tpu.memory_space<vmem>>, vector<16xf32>,
        %add3A_215 = arith.constant 32 : i32
        %add3A_216 = arith.addi %mul3A_180, %add3A_215 : i32
        %swap3A_217 = arith.index_cast %add3A_216 : i32 to index
        %swap3A_218 = tpu.vector_load %arg9[%swap3A_217] {strides = array<i32>} : memref<51336xf32, #tpu.memory_space<vmem>>, vector<16xf32>,
        tpu.vector_store %arg9[%swap3A_217], %get3A_214 {strides = array<i32>} : memref<51336xf32, #tpu.memory_space<vmem>>, vector<16xf32>,
        %add3A_219 = arith.constant 32 : i32
        %add3A_220 = arith.addi %add3A_178, %add3A_219 : i32
        %get3A_221 = arith.index_cast %add3A_220 : i32 to index
        %get3A_222 = tpu.vector_load %arg10[%get3A_221] {strides = array<i32>} : memref<51336xf32, #tpu.memory_space<vmem>>, vector<16xf32>,
        %add3A_223 = arith.constant 32 : i32
        %add3A_224 = arith.addi %mul3A_180, %add3A_223 : i32
        %swap3A_225 = arith.index_cast %add3A_224 : i32 to index
        %swap3A_226 = tpu.vector_load %arg10[%swap3A_225] {strides = array<i32>} : memref<51336xf32, #tpu.memory_space<vmem>>, vector<16xf32>,
        tpu.vector_store %arg10[%swap3A_225], %get3A_222 {strides = array<i32>} : memref<51336xf32, #tpu.memory_space<vmem>>, vector<16xf32>,
        %add3A_227 = arith.constant 48 : i32
        %add3A_228 = arith.addi %add3A_178, %add3A_227 : i32
        %get3A_229 = arith.index_cast %add3A_228 : i32 to index
        %get3A_230 = tpu.vector_load %arg9[%get3A_229] {strides = array<i32>} : memref<51336xf32, #tpu.memory_space<vmem>>, vector<16xf32>,
        %add3A_231 = arith.constant 48 : i32
        %add3A_232 = arith.addi %mul3A_180, %add3A_231 : i32
        %swap3A_233 = arith.index_cast %add3A_232 : i32 to index
        %swap3A_234 = tpu.vector_load %arg9[%swap3A_233] {strides = array<i32>} : memref<51336xf32, #tpu.memory_space<vmem>>, vector<16xf32>,
        tpu.vector_store %arg9[%swap3A_233], %get3A_230 {strides = array<i32>} : memref<51336xf32, #tpu.memory_space<vmem>>, vector<16xf32>,
        %add3A_235 = arith.constant 48 : i32
        %add3A_236 = arith.addi %add3A_178, %add3A_235 : i32
        %get3A_237 = arith.index_cast %add3A_236 : i32 to index
        %get3A_238 = tpu.vector_load %arg10[%get3A_237] {strides = array<i32>} : memref<51336xf32, #tpu.memory_space<vmem>>, vector<16xf32>,
        %add3A_239 = arith.constant 48 : i32
        %add3A_240 = arith.addi %mul3A_180, %add3A_239 : i32
        %swap3A_241 = arith.index_cast %add3A_240 : i32 to index
        %swap3A_242 = tpu.vector_load %arg10[%swap3A_241] {strides = array<i32>} : memref<51336xf32, #tpu.memory_space<vmem>>, vector<16xf32>,
        tpu.vector_store %arg10[%swap3A_241], %get3A_238 {strides = array<i32>} : memref<51336xf32, #tpu.memory_space<vmem>>, vector<16xf32>,
        %add3A_243 = arith.constant 64 : i32
        %add3A_244 = arith.addi %add3A_178, %add3A_243 : i32
        %get3A_245 = arith.index_cast %add3A_244 : i32 to index
        %get3A_246 = tpu.vector_load %arg9[%get3A_245] {strides = array<i32>} : memref<51336xf32, #tpu.memory_space<vmem>>, vector<16xf32>,
        %add3A_247 = arith.constant 64 : i32
        %add3A_248 = arith.addi %mul3A_180, %add3A_247 : i32
        %swap3A_249 = arith.index_cast %add3A_248 : i32 to index
        %swap3A_250 = tpu.vector_load %arg9[%swap3A_249] {strides = array<i32>} : memref<51336xf32, #tpu.memory_space<vmem>>, vector<16xf32>,
        tpu.vector_store %arg9[%swap3A_249], %get3A_246 {strides = array<i32>} : memref<51336xf32, #tpu.memory_space<vmem>>, vector<16xf32>,
        %add3A_251 = arith.constant 64 : i32
        %add3A_252 = arith.addi %add3A_178, %add3A_251 : i32
        %get3A_253 = arith.index_cast %add3A_252 : i32 to index
        %get3A_254 = tpu.vector_load %arg10[%get3A_253] {strides = array<i32>} : memref<51336xf32, #tpu.memory_space<vmem>>, vector<16xf32>,
        %add3A_255 = arith.constant 64 : i32
        %add3A_256 = arith.addi %mul3A_180, %add3A_255 : i32
        %swap3A_257 = arith.index_cast %add3A_256 : i32 to index
        %swap3A_258 = tpu.vector_load %arg10[%swap3A_257] {strides = array<i32>} : memref<51336xf32, #tpu.memory_space<vmem>>, vector<16xf32>,
        tpu.vector_store %arg10[%swap3A_257], %get3A_254 {strides = array<i32>} : memref<51336xf32, #tpu.memory_space<vmem>>, vector<16xf32>,
        %add3A_259 = arith.constant 80 : i32
        %add3A_260 = arith.addi %add3A_178, %add3A_259 : i32
        %get3A_261 = arith.index_cast %add3A_260 : i32 to index
        %get3A_262 = tpu.vector_load %arg9[%get3A_261] {strides = array<i32>} : memref<51336xf32, #tpu.memory_space<vmem>>, vector<16xf32>,
        %add3A_263 = arith.constant 80 : i32
        %add3A_264 = arith.addi %mul3A_180, %add3A_263 : i32
        %swap3A_265 = arith.index_cast %add3A_264 : i32 to index
        %swap3A_266 = tpu.vector_load %arg9[%swap3A_265] {strides = array<i32>} : memref<51336xf32, #tpu.memory_space<vmem>>, vector<16xf32>,
        tpu.vector_store %arg9[%swap3A_265], %get3A_262 {strides = array<i32>} : memref<51336xf32, #tpu.memory_space<vmem>>, vector<16xf32>,
        %add3A_267 = arith.constant 80 : i32
        %add3A_268 = arith.addi %add3A_178, %add3A_267 : i32
        %get3A_269 = arith.index_cast %add3A_268 : i32 to index
        %get3A_270 = tpu.vector_load %arg10[%get3A_269] {strides = array<i32>} : memref<51336xf32, #tpu.memory_space<vmem>>, vector<16xf32>,
        %add3A_271 = arith.constant 80 : i32
        %add3A_272 = arith.addi %mul3A_180, %add3A_271 : i32
        %swap3A_273 = arith.index_cast %add3A_272 : i32 to index
        %swap3A_274 = tpu.vector_load %arg10[%swap3A_273] {strides = array<i32>} : memref<51336xf32, #tpu.memory_space<vmem>>, vector<16xf32>,
        tpu.vector_store %arg10[%swap3A_273], %get3A_270 {strides = array<i32>} : memref<51336xf32, #tpu.memory_space<vmem>>, vector<16xf32>,
        %add3A_275 = arith.constant 96 : i32
        %add3A_276 = arith.addi %add3A_178, %add3A_275 : i32
        %get3A_277 = arith.index_cast %add3A_276 : i32 to index
        %get3A_278 = tpu.vector_load %arg9[%get3A_277] {strides = array<i32>} : memref<51336xf32, #tpu.memory_space<vmem>>, vector<16xf32>,
        %add3A_279 = arith.constant 96 : i32
        %add3A_280 = arith.addi %mul3A_180, %add3A_279 : i32
        %swap3A_281 = arith.index_cast %add3A_280 : i32 to index
        %swap3A_282 = tpu.vector_load %arg9[%swap3A_281] {strides = array<i32>} : memref<51336xf32, #tpu.memory_space<vmem>>, vector<16xf32>,
        tpu.vector_store %arg9[%swap3A_281], %get3A_278 {strides = array<i32>} : memref<51336xf32, #tpu.memory_space<vmem>>, vector<16xf32>,
        %add3A_283 = arith.constant 96 : i32
        %add3A_284 = arith.addi %add3A_178, %add3A_283 : i32
        %get3A_285 = arith.index_cast %add3A_284 : i32 to index
        %get3A_286 = tpu.vector_load %arg10[%get3A_285] {strides = array<i32>} : memref<51336xf32, #tpu.memory_space<vmem>>, vector<16xf32>,
        %add3A_287 = arith.constant 96 : i32
        %add3A_288 = arith.addi %mul3A_180, %add3A_287 : i32
        %swap3A_289 = arith.index_cast %add3A_288 : i32 to index
        %swap3A_290 = tpu.vector_load %arg10[%swap3A_289] {strides = array<i32>} : memref<51336xf32, #tpu.memory_space<vmem>>, vector<16xf32>,
        tpu.vector_store %arg10[%swap3A_289], %get3A_286 {strides = array<i32>} : memref<51336xf32, #tpu.memory_space<vmem>>, vector<16xf32>,
        %add3A_291 = arith.constant 112 : i32
        %add3A_292 = arith.addi %add3A_178, %add3A_291 : i32
        %get3A_293 = arith.index_cast %add3A_292 : i32 to index
        %get3A_294 = tpu.vector_load %arg9[%get3A_293] {strides = array<i32>} : memref<51336xf32, #tpu.memory_space<vmem>>, vector<16xf32>,
        %add3A_295 = arith.constant 112 : i32
        %add3A_296 = arith.addi %mul3A_180, %add3A_295 : i32
        %swap3A_297 = arith.index_cast %add3A_296 : i32 to index
        %swap3A_298 = tpu.vector_load %arg9[%swap3A_297] {strides = array<i32>} : memref<51336xf32, #tpu.memory_space<vmem>>, vector<16xf32>,
        tpu.vector_store %arg9[%swap3A_297], %get3A_294 {strides = array<i32>} : memref<51336xf32, #tpu.memory_space<vmem>>, vector<16xf32>,
        %add3A_299 = arith.constant 112 : i32
        %add3A_300 = arith.addi %add3A_178, %add3A_299 : i32
        %get3A_301 = arith.index_cast %add3A_300 : i32 to index
        %get3A_302 = tpu.vector_load %arg10[%get3A_301] {strides = array<i32>} : memref<51336xf32, #tpu.memory_space<vmem>>, vector<16xf32>,
        %add3A_303 = arith.constant 112 : i32
        %add3A_304 = arith.addi %mul3A_180, %add3A_303 : i32
        %swap3A_305 = arith.index_cast %add3A_304 : i32 to index
        %swap3A_306 = tpu.vector_load %arg10[%swap3A_305] {strides = array<i32>} : memref<51336xf32, #tpu.memory_space<vmem>>, vector<16xf32>,
        tpu.vector_store %arg10[%swap3A_305], %get3A_302 {strides = array<i32>} : memref<51336xf32, #tpu.memory_space<vmem>>, vector<16xf32>,
        %add3A_307 = arith.constant 128 : i32
        %add3A_308 = arith.addi %add3A_178, %add3A_307 : i32
        %get3A_309 = arith.index_cast %add3A_308 : i32 to index
        %get3A_310 = tpu.vector_load %arg9[%get3A_309] {strides = array<i32>} : memref<51336xf32, #tpu.memory_space<vmem>>, vector<16xf32>,
        %add3A_311 = arith.constant 128 : i32
        %add3A_312 = arith.addi %mul3A_180, %add3A_311 : i32
        %swap3A_313 = arith.index_cast %add3A_312 : i32 to index
        %swap3A_314 = tpu.vector_load %arg9[%swap3A_313] {strides = array<i32>} : memref<51336xf32, #tpu.memory_space<vmem>>, vector<16xf32>,
        tpu.vector_store %arg9[%swap3A_313], %get3A_310 {strides = array<i32>} : memref<51336xf32, #tpu.memory_space<vmem>>, vector<16xf32>,
        %add3A_315 = arith.constant 128 : i32
        %add3A_316 = arith.addi %add3A_178, %add3A_315 : i32
        %get3A_317 = arith.index_cast %add3A_316 : i32 to index
        %get3A_318 = tpu.vector_load %arg10[%get3A_317] {strides = array<i32>} : memref<51336xf32, #tpu.memory_space<vmem>>, vector<16xf32>,
        %add3A_319 = arith.constant 128 : i32
        %add3A_320 = arith.addi %mul3A_180, %add3A_319 : i32
        %swap3A_321 = arith.index_cast %add3A_320 : i32 to index
        %swap3A_322 = tpu.vector_load %arg10[%swap3A_321] {strides = array<i32>} : memref<51336xf32, #tpu.memory_space<vmem>>, vector<16xf32>,
        tpu.vector_store %arg10[%swap3A_321], %get3A_318 {strides = array<i32>} : memref<51336xf32, #tpu.memory_space<vmem>>, vector<16xf32>,
        %add3A_323 = arith.constant 144 : i32
        %add3A_324 = arith.addi %add3A_178, %add3A_323 : i32
        %get3A_325 = arith.index_cast %add3A_324 : i32 to index
        %get3A_326 = tpu.vector_load %arg9[%get3A_325] {strides = array<i32>} : memref<51336xf32, #tpu.memory_space<vmem>>, vector<16xf32>,
        %add3A_327 = arith.constant 144 : i32
        %add3A_328 = arith.addi %mul3A_180, %add3A_327 : i32
        %swap3A_329 = arith.index_cast %add3A_328 : i32 to index
        %swap3A_330 = tpu.vector_load %arg9[%swap3A_329] {strides = array<i32>} : memref<51336xf32, #tpu.memory_space<vmem>>, vector<16xf32>,
        tpu.vector_store %arg9[%swap3A_329], %get3A_326 {strides = array<i32>} : memref<51336xf32, #tpu.memory_space<vmem>>, vector<16xf32>,
        %add3A_331 = arith.constant 144 : i32
        %add3A_332 = arith.addi %add3A_178, %add3A_331 : i32
        %get3A_333 = arith.index_cast %add3A_332 : i32 to index
        %get3A_334 = tpu.vector_load %arg10[%get3A_333] {strides = array<i32>} : memref<51336xf32, #tpu.memory_space<vmem>>, vector<16xf32>,
        %add3A_335 = arith.constant 144 : i32
        %add3A_336 = arith.addi %mul3A_180, %add3A_335 : i32
        %swap3A_337 = arith.index_cast %add3A_336 : i32 to index
        %swap3A_338 = tpu.vector_load %arg10[%swap3A_337] {strides = array<i32>} : memref<51336xf32, #tpu.memory_space<vmem>>, vector<16xf32>,
        tpu.vector_store %arg10[%swap3A_337], %get3A_334 {strides = array<i32>} : memref<51336xf32, #tpu.memory_space<vmem>>, vector<16xf32>,
        %add3A_339 = arith.constant 160 : i32
        %add3A_340 = arith.addi %add3A_178, %add3A_339 : i32
        %get3A_341 = arith.index_cast %add3A_340 : i32 to index
        %get3A_342 = tpu.vector_load %arg9[%get3A_341] {strides = array<i32>} : memref<51336xf32, #tpu.memory_space<vmem>>, vector<16xf32>,
        %add3A_343 = arith.constant 160 : i32
        %add3A_344 = arith.addi %mul3A_180, %add3A_343 : i32
        %swap3A_345 = arith.index_cast %add3A_344 : i32 to index
        %swap3A_346 = tpu.vector_load %arg9[%swap3A_345] {strides = array<i32>} : memref<51336xf32, #tpu.memory_space<vmem>>, vector<16xf32>,
        tpu.vector_store %arg9[%swap3A_345], %get3A_342 {strides = array<i32>} : memref<51336xf32, #tpu.memory_space<vmem>>, vector<16xf32>,
        %add3A_347 = arith.constant 160 : i32
        %add3A_348 = arith.addi %add3A_178, %add3A_347 : i32
        %get3A_349 = arith.index_cast %add3A_348 : i32 to index
        %get3A_350 = tpu.vector_load %arg10[%get3A_349] {strides = array<i32>} : memref<51336xf32, #tpu.memory_space<vmem>>, vector<16xf32>,
        %add3A_351 = arith.constant 160 : i32
        %add3A_352 = arith.addi %mul3A_180, %add3A_351 : i32
        %swap3A_353 = arith.index_cast %add3A_352 : i32 to index
        %swap3A_354 = tpu.vector_load %arg10[%swap3A_353] {strides = array<i32>} : memref<51336xf32, #tpu.memory_space<vmem>>, vector<16xf32>,
        tpu.vector_store %arg10[%swap3A_353], %get3A_350 {strides = array<i32>} : memref<51336xf32, #tpu.memory_space<vmem>>, vector<16xf32>,
        %add3A_355 = arith.constant 176 : i32
        %add3A_356 = arith.addi %add3A_178, %add3A_355 : i32
        %get3A_357 = arith.index_cast %add3A_356 : i32 to index
        %get3A_358 = tpu.vector_load %arg9[%get3A_357] {strides = array<i32>} : memref<51336xf32, #tpu.memory_space<vmem>>, vector<16xf32>,
        %add3A_359 = arith.constant 176 : i32
        %add3A_360 = arith.addi %mul3A_180, %add3A_359 : i32
        %swap3A_361 = arith.index_cast %add3A_360 : i32 to index
        %swap3A_362 = tpu.vector_load %arg9[%swap3A_361] {strides = array<i32>} : memref<51336xf32, #tpu.memory_space<vmem>>, vector<16xf32>,
        tpu.vector_store %arg9[%swap3A_361], %get3A_358 {strides = array<i32>} : memref<51336xf32, #tpu.memory_space<vmem>>, vector<16xf32>,
        %add3A_363 = arith.constant 176 : i32
        %add3A_364 = arith.addi %add3A_178, %add3A_363 : i32
        %get3A_365 = arith.index_cast %add3A_364 : i32 to index
        %get3A_366 = tpu.vector_load %arg10[%get3A_365] {strides = array<i32>} : memref<51336xf32, #tpu.memory_space<vmem>>, vector<16xf32>,
        %add3A_367 = arith.constant 176 : i32
        %add3A_368 = arith.addi %mul3A_180, %add3A_367 : i32
        %swap3A_369 = arith.index_cast %add3A_368 : i32 to index
        %swap3A_370 = tpu.vector_load %arg10[%swap3A_369] {strides = array<i32>} : memref<51336xf32, #tpu.memory_space<vmem>>, vector<16xf32>,
        tpu.vector_store %arg10[%swap3A_369], %get3A_366 {strides = array<i32>} : memref<51336xf32, #tpu.memory_space<vmem>>, vector<16xf32>,
        %add3A_371 = arith.constant 192 : i32
        %add3A_372 = arith.addi %add3A_178, %add3A_371 : i32
        %get3A_373 = arith.index_cast %add3A_372 : i32 to index
        %get3A_374 = tpu.vector_load %arg9[%get3A_373] {strides = array<i32>} : memref<51336xf32, #tpu.memory_space<vmem>>, vector<16xf32>,
        %add3A_375 = arith.constant 192 : i32
        %add3A_376 = arith.addi %mul3A_180, %add3A_375 : i32
        %swap3A_377 = arith.index_cast %add3A_376 : i32 to index
        %swap3A_378 = tpu.vector_load %arg9[%swap3A_377] {strides = array<i32>} : memref<51336xf32, #tpu.memory_space<vmem>>, vector<16xf32>,
        tpu.vector_store %arg9[%swap3A_377], %get3A_374 {strides = array<i32>} : memref<51336xf32, #tpu.memory_space<vmem>>, vector<16xf32>,
        %add3A_379 = arith.constant 192 : i32
        %add3A_380 = arith.addi %add3A_178, %add3A_379 : i32
        %get3A_381 = arith.index_cast %add3A_380 : i32 to index
        %get3A_382 = tpu.vector_load %arg10[%get3A_381] {strides = array<i32>} : memref<51336xf32, #tpu.memory_space<vmem>>, vector<16xf32>,
        %add3A_383 = arith.constant 192 : i32
        %add3A_384 = arith.addi %mul3A_180, %add3A_383 : i32
        %swap3A_385 = arith.index_cast %add3A_384 : i32 to index
        %swap3A_386 = tpu.vector_load %arg10[%swap3A_385] {strides = array<i32>} : memref<51336xf32, #tpu.memory_space<vmem>>, vector<16xf32>,
        tpu.vector_store %arg10[%swap3A_385], %get3A_382 {strides = array<i32>} : memref<51336xf32, #tpu.memory_space<vmem>>, vector<16xf32>,
        %add3A_387 = arith.constant 208 : i32
        %add3A_388 = arith.addi %add3A_178, %add3A_387 : i32
        %get3A_389 = arith.index_cast %add3A_388 : i32 to index
        %get3A_390 = tpu.vector_load %arg9[%get3A_389] {strides = array<i32>} : memref<51336xf32, #tpu.memory_space<vmem>>, vector<16xf32>,
        %add3A_391 = arith.constant 208 : i32
        %add3A_392 = arith.addi %mul3A_180, %add3A_391 : i32
        %swap3A_393 = arith.index_cast %add3A_392 : i32 to index
        %swap3A_394 = tpu.vector_load %arg9[%swap3A_393] {strides = array<i32>} : memref<51336xf32, #tpu.memory_space<vmem>>, vector<16xf32>,
        tpu.vector_store %arg9[%swap3A_393], %get3A_390 {strides = array<i32>} : memref<51336xf32, #tpu.memory_space<vmem>>, vector<16xf32>,
        %add3A_395 = arith.constant 208 : i32
        %add3A_396 = arith.addi %add3A_178, %add3A_395 : i32
        %get3A_397 = arith.index_cast %add3A_396 : i32 to index
        %get3A_398 = tpu.vector_load %arg10[%get3A_397] {strides = array<i32>} : memref<51336xf32, #tpu.memory_space<vmem>>, vector<16xf32>,
        %add3A_399 = arith.constant 208 : i32
        %add3A_400 = arith.addi %mul3A_180, %add3A_399 : i32
        %swap3A_401 = arith.index_cast %add3A_400 : i32 to index
        %swap3A_402 = tpu.vector_load %arg10[%swap3A_401] {strides = array<i32>} : memref<51336xf32, #tpu.memory_space<vmem>>, vector<16xf32>,
        tpu.vector_store %arg10[%swap3A_401], %get3A_398 {strides = array<i32>} : memref<51336xf32, #tpu.memory_space<vmem>>, vector<16xf32>,
        %scan3A_403 = arith.constant 0 : i32
        scf.yield %scan3A_403 : i32
      }
      %scan3A_153 = arith.constant 224 : i32
      %mul3A_154 = arith.constant 50176 : i32
      %mul3A_155 = arith.muli %add3A_86, %mul3A_154 : i32
      %dma_start3A_156 = arith.constant 0 : i32
      %dma_start3A_157 = tpu.memref_slice %arg9[%dma_start3A_156] : memref<51336xf32, #tpu.memory_space<vmem>> -> memref<50176xf32, #tpu.memory_space<vmem>>
      %dma_start3A_158 = tpu.memref_slice %arg5[%mul3A_155] : memref<19267584xf32, #tpu.memory_space<hbm>> -> memref<50176xf32, #tpu.memory_space<hbm>>
      %dma_start3A_159 = tpu.memref_slice %arg5[%mul3A_155] : memref<19267584xf32, #tpu.memory_space<hbm>> -> memref<50176xf32, #tpu.memory_space<hbm>>
      %dma_start3A_160 = arith.constant 0 : i32
      %dma_start3A_161 = tpu.memref_slice %arg9[%dma_start3A_160] : memref<51336xf32, #tpu.memory_space<vmem>> -> memref<50176xf32, #tpu.memory_space<vmem>>
      tpu.enqueue_dma source(%dma_start3A_161 : memref<50176xf32, #tpu.memory_space<vmem>>) target(%dma_start3A_159 : memref<50176xf32, #tpu.memory_space<hbm>>) target_semaphore(%arg15 : memref<!tpu.dma_semaphore, #tpu.memory_space<semaphore_mem>>)
      %mul3A_162 = arith.constant 50176 : i32
      %mul3A_163 = arith.muli %add3A_88, %mul3A_162 : i32
      %dma_start3A_164 = arith.constant 0 : i32
      %dma_start3A_165 = tpu.memref_slice %arg10[%dma_start3A_164] : memref<51336xf32, #tpu.memory_space<vmem>> -> memref<50176xf32, #tpu.memory_space<vmem>>
      %dma_start3A_166 = tpu.memref_slice %arg5[%mul3A_163] : memref<19267584xf32, #tpu.memory_space<hbm>> -> memref<50176xf32, #tpu.memory_space<hbm>>
      %dma_start3A_167 = tpu.memref_slice %arg5[%mul3A_163] : memref<19267584xf32, #tpu.memory_space<hbm>> -> memref<50176xf32, #tpu.memory_space<hbm>>
      %dma_start3A_168 = arith.constant 0 : i32
      %dma_start3A_169 = tpu.memref_slice %arg10[%dma_start3A_168] : memref<51336xf32, #tpu.memory_space<vmem>> -> memref<50176xf32, #tpu.memory_space<vmem>>
      tpu.enqueue_dma source(%dma_start3A_169 : memref<50176xf32, #tpu.memory_space<vmem>>) target(%dma_start3A_167 : memref<50176xf32, #tpu.memory_space<hbm>>) target_semaphore(%arg15 : memref<!tpu.dma_semaphore, #tpu.memory_space<semaphore_mem>>)
      %scan3A_170 = arith.constant 0 : i32
      scf.yield %scan3A_170 : i32
    }
    %scan3A_51 = arith.constant 6 : i32
    %mul3A_52 = arith.constant 96 : i32
    %mul3A_53 = arith.muli %select_n3A, %mul3A_52 : i32
    %add3A_54 = arith.addi %mul3A_53, %select_n3A_30 : i32
    %add3A_55 = arith.constant 80 : i32
    %add3A_56 = arith.addi %add3A_54, %add3A_55 : i32
    %mul3A_57 = arith.constant 96 : i32
    %mul3A_58 = arith.muli %select_n3A, %mul3A_57 : i32
    %add3A_59 = arith.addi %mul3A_58, %select_n3A_30 : i32
    %add3A_60 = arith.constant 80 : i32
    %add3A_61 = arith.addi %add3A_59, %add3A_60 : i32
    %add3A_62 = arith.constant 8 : i32
    %add3A_63 = arith.addi %add3A_61, %add3A_62 : i32
    %mul3A_64 = arith.constant 50176 : i32
    %mul3A_65 = arith.muli %add3A_56, %mul3A_64 : i32
    %dma_wait3A = arith.constant 0 : i32
    %dma_wait3A_66 = tpu.memref_slice %arg9[%dma_wait3A] : memref<51336xf32, #tpu.memory_space<vmem>> -> memref<50176xf32, #tpu.memory_space<vmem>>
    %dma_wait3A_67 = tpu.memref_slice %arg5[%mul3A_65] : memref<19267584xf32, #tpu.memory_space<hbm>> -> memref<50176xf32, #tpu.memory_space<hbm>>
    %dma_wait3A_68 = tpu.memref_slice %arg5[%mul3A_65] : memref<19267584xf32, #tpu.memory_space<hbm>> -> memref<50176xf32, #tpu.memory_space<hbm>>
    %dma_wait3A_69 = arith.constant 0 : i32
    %dma_wait3A_70 = tpu.memref_slice %arg9[%dma_wait3A_69] : memref<51336xf32, #tpu.memory_space<vmem>> -> memref<50176xf32, #tpu.memory_space<vmem>>
    tpu.wait_dma2 semaphore(%arg15 : memref<!tpu.dma_semaphore, #tpu.memory_space<semaphore_mem>>) src(%dma_wait3A_70 : memref<50176xf32, #tpu.memory_space<vmem>>) dst(%dma_wait3A_68 : memref<50176xf32, #tpu.memory_space<hbm>>)
    %mul3A_71 = arith.constant 50176 : i32
    %mul3A_72 = arith.muli %add3A_63, %mul3A_71 : i32
    %dma_wait3A_73 = arith.constant 0 : i32
    %dma_wait3A_74 = tpu.memref_slice %arg10[%dma_wait3A_73] : memref<51336xf32, #tpu.memory_space<vmem>> -> memref<50176xf32, #tpu.memory_space<vmem>>
    %dma_wait3A_75 = tpu.memref_slice %arg5[%mul3A_72] : memref<19267584xf32, #tpu.memory_space<hbm>> -> memref<50176xf32, #tpu.memory_space<hbm>>
    %dma_wait3A_76 = tpu.memref_slice %arg5[%mul3A_72] : memref<19267584xf32, #tpu.memory_space<hbm>> -> memref<50176xf32, #tpu.memory_space<hbm>>
    %dma_wait3A_77 = arith.constant 0 : i32
    %dma_wait3A_78 = tpu.memref_slice %arg10[%dma_wait3A_77] : memref<51336xf32, #tpu.memory_space<vmem>> -> memref<50176xf32, #tpu.memory_space<vmem>>
    tpu.wait_dma2 semaphore(%arg15 : memref<!tpu.dma_semaphore, #tpu.memory_space<semaphore_mem>>) src(%dma_wait3A_78 : memref<50176xf32, #tpu.memory_space<vmem>>) dst(%dma_wait3A_76 : memref<50176xf32, #tpu.memory_space<hbm>>)
    return
  }
}

</mosaic_0001>

<sc_bundles>
// kernel: kernel.3.cloned.1.call-start
scs
__scs_entry_jumppad:
0x0: {  	(pc) =	sbr.rel $0x88, $3  }
0x1: {  	(tag) =	ssettag $0x0;
	lr =	simm.s32 $0x1  }
0x2: {  	[smem:$0x3F9F] =	sst lr;
	_ =	strace $0xD0000000  }
0x3: {  	_ = 	snop  }
0x4: {  	_ = 	snop  }
0x5: {  	_ = 	snop  }
0x6: {  	_ = 	snop  }
0x7: {  	_ = 	snop  }
__scs_overlays_trampoline_lowered:
0x8: {  	[smem:$0x3FAE] =	sst s0  }
0x9: {  	[smem:$0x3FAF] =	sst s1  }
0xa: {  	[smem:$0x3FB0] =	sst s2  }
0xb: {  	[smem:$0x3FB1] =	sst s3  }
0xc: {  	[smem:$0x3FB2] =	sst s4  }
0xd: {  	[smem:$0x3FB3] =	sst s5  }
0xe: {  	[smem:$0x3FB4] =	sst s6  }
0xf: {  	[smem:$0x3FB5] =	sst s7  }
0x10: {  	[smem:$0x3FB6] =	sst s8  }
0x11: {  	[smem:$0x3FB7] =	sst s9;
	s0 =	simm.s32 @!p0 $0x0  }
0x12: {  	s1 =	sld [smem:$0x3F9D];
	s0 =	simm.s32 @p0 $0x1  }
0x13: {  	[smem:$0x3FB8] =	sst s0;
	s0 =	simm.s32 @!p1 $0x0  }
0x14: {  	s2 =	sld [smem:$0x3F9C];
	s0 =	simm.s32 @p1 $0x1  }
0x15: {  	[smem:$0x3FB9] =	sst s0;
	s0 =	simm.s32 @!p2 $0x0  }
0x16: {  	s3 =	sld [smem:$0x3FDB];
	s0 =	simm.s32 @p2 $0x1  }
0x17: {  	s4 =	simm.s32 $0x1BF5;
	[smem:$0x3FBB] =	sst s0  }
0x18: {  	s0 =	sld [smem:$0x3F9E];
	_ =	swait.ge [sflag:s4], $0x0  }
0x19: {  	s7 =	sld [smem:$0x3F9F]  }
0x1a: {  	s8 =	sadd.s32 $0xFFFFE003, lr  }
0x1b: {  	s9 =	sadd.s32 $0xFFFFFEF7, lr;
	s5 =	simm.s32 $0xFFFFFFFF;
	p2 =	slt.u32 s8, $0xFFFFF086  }
0x1c: {  	p1 =	slt.u32 s9, $0xF7A;
	s5 =	simm.s32 @!p2 $0x0  }
0x1d: {  	s5 =	simm.s32 @p1 $0x1;
	p0 =	seq.s32 s7, s2  }
0x1e: {  	s7 =	smul.u32 @!p0 $0xF7A, s2;
	p2 =	seq.s32 @!p0 s5, $0x0  }
0x1f: {  	s9 =	smul.u32 $0xF7A, s1;
	s8 =	simm.s32 @!p0 $0x1BF5;
	p2 =	por !p2, p0  }
0x20: {  	[sflag:s8] =	ssyncset.s32 @!p0 $0xFFFFF086;
	s6 =	sadd.s32 @!p0 s3, s7;
	s7 =	simm.s32 @!p0 $0x108  }
0x21: {  	s3 =	sadd.s32 s3, s9;
	s6 =	sadd.s32 @!p0 $0x88, s6;
	s7 =	simm.s32 @p2 $0x1082  }
0x22: {  	[simem:s7], [sflag:s8] =	dma.local @!p0 [hbm:s6], $0xF7A  }
0x23: {  	s9 =	sor.u32 $0xD0000000, s2;
	s6 =	simm.s32 $0x108;
	_ =	swait.ge @!p0 [sflag:s8], $0x0  }
0x24: {  	s3 =	sadd.s32 $0x88, s3;
	s6 =	simm.s32 @!p1 $0x1082;
	[sflag:s4] =	ssyncset.s32 $0xFFFFF086  }
0x25: {  	[simem:s6], [sflag:s4] =	dma.local [hbm:s3], $0xF7A  }
0x26: {  	[smem:$0x3F9F] =	sst s1;
	(tag) =	ssettag s2;
	_ =	strace s9  }
0x27: {  	s1 =	sld [smem:$0x3FAF]  }
0x28: {  	s2 =	sld [smem:$0x3FB0]  }
0x29: {  	s4 =	sld [smem:$0x3FB2]  }
0x2a: {  	p0 =	seq.s32 s5, $0x0;
	s5 =	sld [smem:$0x3FB3]  }
0x2b: {  	s6 =	sld [smem:$0x3FB4]  }
0x2c: {  	s7 =	sld [smem:$0x3FB5]  }
0x2d: {  	s3 =	simm.s32 $0x108;
	s8 =	sld [smem:$0x3FB6]  }
0x2e: {  	s3 =	simm.s32 @!p0 $0x1082;
	s9 =	sld [smem:$0x3FB7]  }
0x2f: {  	lr =	sadd.s32 s0, s3;
	s0 =	sld [smem:$0x3FAE]  }
0x30: {  	s3 =	sld [smem:$0x3FB1]  }
0x31: {  	[smem:$0x3FBA] =	sst s10  }
0x32: {  	s10 =	sld [smem:$0x3FB8];
	_ =	sdelay $0x3  }
0x33: {  	p0 =	seq.s32 s10, $0x1;
	s10 =	sld [smem:$0x3FBA];
	_ =	sdelay $0x3  }
0x34: {  	[smem:$0x3FBA] =	sst s10  }
0x35: {  	s10 =	sld [smem:$0x3FB9];
	_ =	sdelay $0x3  }
0x36: {  	p1 =	seq.s32 s10, $0x1;
	s10 =	sld [smem:$0x3FBA];
	_ =	sdelay $0x3  }
0x37: {  	[smem:$0x3FBA] =	sst s10  }
0x38: {  	s10 =	sld [smem:$0x3FBB]  }
0x39: {  	_ = 	snop;
	(pc) =	sbr.ind lr, $3  }
0x3a: {  	_ = 	snop  }
0x3b: {  	_ = 	snop  }
0x3c: {  	p2 =	seq.s32 s10, $0x1;
	s10 =	sld [smem:$0x3FBA]  }
0x3d: {  	_ =	shalt  }
0x3e: {  	_ =	shalt  }
0x3f: {  	_ =	shalt  }
0x40: {  	_ =	shalt  }
0x41: {  	_ =	shalt  }
0x42: {  	_ =	shalt  }
0x43: {  	_ =	shalt  }
0x44: {  	_ =	shalt  }
0x45: {  	_ =	shalt  }
0x46: {  	_ =	shalt  }
0x47: {  	_ =	shalt  }
0x48: {  	_ =	shalt  }
0x49: {  	_ =	shalt  }
0x4a: {  	_ =	shalt  }
0x4b: {  	_ =	shalt  }
0x4c: {  	_ =	shalt  }
0x4d: {  	_ =	shalt  }
0x4e: {  	_ =	shalt  }
0x4f: {  	_ =	shalt  }
0x50: {  	_ =	shalt  }
0x51: {  	_ =	shalt  }
0x52: {  	_ =	shalt  }
0x53: {  	_ =	shalt  }
0x54: {  	_ =	shalt  }
0x55: {  	_ =	shalt  }
0x56: {  	_ =	shalt  }
0x57: {  	_ =	shalt  }
0x58: {  	_ =	shalt  }
0x59: {  	_ =	shalt  }
0x5a: {  	_ =	shalt  }
0x5b: {  	_ =	shalt  }
0x5c: {  	_ =	shalt  }
0x5d: {  	_ =	shalt  }
0x5e: {  	_ =	shalt  }
0x5f: {  	_ =	shalt  }
0x60: {  	_ =	shalt  }
0x61: {  	_ =	shalt  }
0x62: {  	_ =	shalt  }
0x63: {  	_ =	shalt  }
0x64: {  	_ =	shalt  }
0x65: {  	_ =	shalt  }
0x66: {  	_ =	shalt  }
0x67: {  	_ =	shalt  }
0x68: {  	_ =	shalt  }
0x69: {  	_ =	shalt  }
0x6a: {  	_ =	shalt  }
0x6b: {  	_ =	shalt  }
0x6c: {  	_ =	shalt  }
0x6d: {  	_ =	shalt  }
0x6e: {  	_ =	shalt  }
0x6f: {  	_ =	shalt  }
0x70: {  	_ =	shalt  }
0x71: {  	_ =	shalt  }
0x72: {  	_ =	shalt  }
0x73: {  	_ =	shalt  }
0x74: {  	_ =	shalt  }
0x75: {  	_ =	shalt  }
0x76: {  	_ =	shalt  }
0x77: {  	_ =	shalt  }
0x78: {  	_ =	shalt  }
0x79: {  	_ =	shalt  }
0x7a: {  	_ =	shalt  }
0x7b: {  	_ =	shalt  }
0x7c: {  	_ =	shalt  }
0x7d: {  	_ =	shalt  }
0x7e: {  	_ =	shalt  }
0x7f: {  	_ =	shalt  }
0x80: {  	_ =	shalt  }
0x81: {  	_ =	shalt  }
0x82: {  	_ =	shalt  }
0x83: {  	_ =	shalt  }
0x84: {  	_ =	shalt  }
0x85: {  	_ =	shalt  }
0x86: {  	_ =	shalt  }
0x87: {  	_ =	shalt  }
.Lfunc_end0:
.L_simem_size_0:
called_computation_lowered:
.L_overlay_start_0:
0x88: {  	s2 =	sld [smem:$0x3FD9]  }
0x89: {  	s3 =	sld [smem:$0x3FFE];
	_ =	sdelay $0x1  }
0x8a: {  	s1 =	srdreg.scid  }
0x8b: {  	s0 =	sand.u32 $0x1, s1  }
0x8c: {  	s17 =	sshll.u32 s0, $0xA;
	s2 =	sadd.s32 s3, s2  }
0x8d: {  	s2 =	sadd.s32 s2, s17  }
0x8e: {  	[smem:$0x3FC6] =	sst s2  }
0x8f: {  	_ = 	snop  }
0x90: {  	s2 =	sld [smem:$0x3FD0];
	(tm) =	ssettm $0x1  }
0x91: {  	s18 =	sld [smem:$0x3FFB];
	_ =	sdelay $0x3  }
0x92: {  	_ =	strace s18  }
0x93: {  	s3 =	sld [smem:$0x3FFC];
	_ =	sdelay $0x3  }
0x94: {  	_ =	strace s3  }
0x95: {  	s3 =	sld [smem:$0x3FFD];
	_ =	sdelay $0x3  }
0x96: {  	_ =	strace s3  }
0x97: {  	_ =	strace $0x8FFFFFFF  }
0x98: {  	s19 =	sld [smem:$0x3FDB];
	_ =	sdelay $0x1  }
0x99: {  	s4 =	simm.s32 $_scs_section_size  }
0x9a: {  	s5 =	simm.s32 $_size__tile_overlayer_lowered;
	s6 =	simm.s32 $_tile_overlayer_lowered  }
0x9b: {  	s22 =	simm.s32 $0x1BFF;
	s21 =	sshll.u32 s6, $0x1;
	s3 =	sadd.s32 s4, s19  }
0x9c: {  	s7 =	simm.s32 $0x0;
	s20 =	sshll.u32 s5, $0x1;
	s5 =	sadd.s32 s21, s3  }
0x9d: {  	[timem:s7], [sflag:s22] =	dma.local [hbm:s5], s20  }
0x9e: {  	_ =	swait.ge [sflag:s22], s20  }
0x9f: {  	s4 =	ssub.s32 $0x0, s20;
	[sflag:s22] =	ssyncset.done $0x0  }
0xa0: {  	[sflag:s22] =	ssyncadd.s32 s4;
	_ =	sdelay $0x1  }
0xa1: {  	s23 =	simm.s32 $0x1B8B  }
0xa2: {  	_ =	swait.ge [sflag:s23], $0x1  }
0xa3: {  	[sflag:s23] =	ssyncset.done $0x0  }
0xa4: {  	s25 =	simm.s32 $0x1B8E;
	s24 =	sld [smem:$0x3FFE];
	[sflag:s23] =	ssyncadd.s32 $0xFFFFFFFF  }
0xa5: {  	s26 =	simm.s32 $execute0_lowered;
	[smem:$0x3FD2] =	sst s25  }
0xa6: {  	s5 =	sshll.u32 s26, $0x1;
	_ =	strace $0x80000046;
	[dreg:$0x1] =	wrdreg $0xFFFFFFFF  }
0xa7: {  	s28 =	simm.s32 $_size_execute0_lowered;
	s3 =	sadd.s32 s3, s5;
	[dreg:$0x0] =	wrdreg $0x0  }
0xa8: {  	s5 =	sshll.u32 s28, $0x1;
	[dreg:$0x2] =	wrdreg s3  }
0xa9: {  	[dreg:$0x3] =	wrdreg s5  }
0xaa: {  	[dreg:$0x4] =	wrdreg $0xC0  }
0xab: {  	_ =	task [dreg:s7], $0x5FFFF  }
0xac: {  	[dreg:$0x1] =	wrdreg $0xFFFFFFFF  }
0xad: {  	[dreg:$0x0] =	wrdreg $0x60  }
0xae: {  	[dreg:$0x2] =	wrdreg s2  }
0xaf: {  	[dreg:$0x3] =	wrdreg s24  }
0xb0: {  	[dreg:$0x4] =	wrdreg $0x9  }
0xb1: {  	_ =	task.clear_ibuf [dreg:s7], $0x5FFFF;
	_ =	strace $0x90000046  }
0xb2: {  	s29 =	simm.s32 $0x9;
	_ =	strace $0x80000048  }
0xb3: {  	_ =	swait.ge [sflag:s29], $0x1  }
0xb4: {  	[sflag:s29] =	ssyncadd.s32 $0xFFFFFFFF  }
0xb5: {  	_ =	strace $0x90000048  }
0xb6: {  	_ =	sfence  }
0xb7: {  	s30 =	sld [smem:$0x0];
	_ =	sdelay $0x2  }
0xb8: {  	s31 =	sshll.u32 s1, $0xD;
	s1 =	sshrl.u32 s1, $0x2  }
0xb9: {  	s3 =	sand.u32 $0x4000, s31;
	s1 =	sadd.s32 s1, s30  }
0xba: {  	s0 =	sor.u32 s3, s0;
	s1 =	sshll.u32 s1, $0x11  }
0xbb: {  	s0 =	sor.u32 s1, s0  }
0xbc: {  	s0 =	sadd.s32 $0x8F2B, s0  }
0xbd: {  	[sflag:s0] =	ssyncadd.remote.s32 $0x1  }
0xbe: {  	_ =	sfence.sel $0xFFFF  }
0xbf: {  	[dreg:$0x0] =	wrdreg $0xFFFFFFFF;
	(pc) =	sbr.abs _section_cstart, $3  }
0xc0: {  	[dreg:$0x1] =	wrdreg $0xFFFFFFFF  }
0xc1: {  	_ =	task.clear_ibuf [dreg:s7], $0x2FFFF;
	_ =	strace $0x9FFFFFFF  }
0xc2: {  	(tm) =	ssettm $0x7FFFFFFF  }
0xc3: {  	_ =	shalt  }
tec
execute0_lowered:
.L_overlay_start_1:
0x0: {  	(tag) =	ssettag $0x1  }
0x1: {  	s0 =	srdreg.scid  }
0x2: {  	s3 =	stileid.u32;
	s2 =	rddreg [dreg:$0x0]  }
0x3: {  	s14 =	rddreg [dreg:$0x1];
	s4 =	simm.s32 $0x0;
	s5 =	simm.s32 $0x1  }
0x4: {  	s11 =	simm.s32 $0x1;
	s18 =	simm.s32 $0x19200;
	s19 =	simm.s32 $0x4  }
0x5: {  	s28 =	simm.s32 $0x1A460;
	s29 =	simm.s32 $0x1B500;
	s0 =	sand.u32 $0x1, s0  }
0x6: {  	s30 =	simm.s32 $0x1BC00;
	s31 =	simm.s32 $0x1C300;
	s1 =	sshll.u32 s0, $0x4  }
0x7: {  	s17 =	simm.s32 $0xC900;
	s1 =	sor.u32 s3, s1;
	s3 =	sand.u32 $0x7, s3  }
0x8: {  	s13 =	simm.s32 $0x0;
	p0 =	seq.s32 s1, $0x0;
	p1 =	sne.s32 s3, $0x0  }
0x9: {  	[smem:$0x7FF] =	sst s4;
	s15 =	sadd.s32 $0x6200, s14;
	p0 =	por !p1, !p0  }
0xa: {  	s6 =	sadd.s32 $0x1EA00, s14;
	s7 =	sadd.s32 $0xC400, s14;
	p0 =	por !p0, !p0  }
0xb: {  	s0 =	ssub.s32 $0x2, s0;
	s1 =	sshrl.u32 s1, $0x3;
	s5 =	simm.s32 @!p0 $0x0  }
0xc: {  	s22 =	sshrl.u32 s0, $0x1;
	s12 =	smul.u32 $0x1880, s3;
	s1 =	ssub.s32 s1, s5  }
0xd: {  	_ =	strace $0x80000047;
	s0 =	ssub.s32 s0, s22;
	s8 =	smul.u32 $0xC400, s1  }
0xe: {  	[dreg:$0x3] =	wrdreg s15;
	s0 =	smax.u32 s0, $0x1;
	s1 =	smul.u32 $0x60, s1  }
0xf: {  	s9 =	sadd.s32 $0x12600, s14;
	s10 =	sadd.s32 $0x18800, s14;
	[dreg:$0x8] =	wrdreg s0  }
0x10: {  	s0 =	simm.s32 $0x1D100;
	s24 =	sadd.s32 s12, s8;
	s1 =	sor.u32 s3, s1  }
0x11: {  	s23 =	sshrl.u32 s8, $0x3;
	s3 =	simm.s32 $0x2;
	[dreg:$0x5] =	wrdreg s1  }
0x12: {  	s25 =	sadd.s32 s7, s23;
	s26 =	sadd.s32 s9, s23;
	[dreg:$0x4] =	wrdreg s24  }
0x13: {  	s16 =	sadd.s32 s10, s23;
	s1 =	simm.s32 $0x1CA00;
	[dreg:$0x6] =	wrdreg s25  }
0x14: {  	v0 =	vimm.f32 $0.0e+00;
	[dreg:$0x7] =	wrdreg s26;
	s25 =	simm.s32 $0x19820;
	s26 =	simm.s32 $0x19E40  }
.LBB2_1:
0x15: {  	[dreg:$0x9] =	wrdreg s13;
	s5 =	simm.s32 $0x0  }
.LBB2_2:
0x16: {  	s12 =	smul.u32 $0x620, s5;
	_ =	sdelay $0x1  }
0x17: {  	s12 =	sadd.s32 s12, s24  }
0x18: {  	s12 =	sshrl.u32 s12, $0x3  }
0x19: {  	s20 =	simm.s32 $0x0;
	s13 =	sadd.s32 s15, s12  }
0x1a: {  	[tilespmem:s18], [sflag:$0x4] =	stream.linear.gather [hbm4b:s13+s20], $0x620, $0x38;
	[tilespmem:$0x1D800] =	vst v63  }
0x1b: {  	_ =	swait.ge [sflag:s19], $0x620  }
0x1c: {  	[sflag:s19] =	ssyncset.done $0x0  }
0x1d: {  	s23 =	sadd.s32 s14, s12;
	[sflag:s19] =	ssyncadd.s32 $0xFFFFF9E0  }
0x1e: {  	[tilespmem:s25], [sflag:$0x4] =	stream.linear.gather [hbm4b:s23+s20], $0x620, $0x38;
	[tilespmem:$0x1D800] =	vst v63  }
0x1f: {  	_ =	swait.ge [sflag:s19], $0x620  }
0x20: {  	[sflag:s19] =	ssyncset.done $0x0  }
0x21: {  	s13 =	simm.s32 $0x19E40;
	[sflag:s19] =	ssyncadd.s32 $0xFFFFF9E0  }
0x22: {  	v1 =	vld [tilespmem:s13+$0xFFFFF3C0]  }
0x23: {  	s22 =	simm.s32 $0x10;
	s21 =	simm.s32 $0x19E40;
	v2 =	vld [tilespmem:s13+$0xFFFFF9E0]  }
.LBB2_3:
0x24: {  	p0 =	sne.s32 s22, $0x610;
	_ =	sdelay $0x2  }
0x25: {  	v1 =	vadd.f32 $1.000000000e+00, v1  }
0x26: {  	v2 =	vadd.f32 $1.000000000e+00, v2  }
0x27: {  	v1 =	vmul.f32 $5.000000000e-01, v1  }
0x28: {  	v2 =	vmul.f32 $5.000000000e-01, v2  }
0x29: {  	v1 =	vmul.f32 $2.240000000e+02, v1  }
0x2a: {  	v2 =	vmul.f32 $2.240000000e+02, v2  }
0x2b: {  	v1 =	vadd.f32 $1.000000000e+00, v1  }
0x2c: {  	v2 =	vadd.f32 $1.000000000e+00, v2  }
0x2d: {  	v1 =	vmax.f32 v1, $0.0e+00  }
0x2e: {  	v1 =	vmin.f32 v1, $2.250000000e+02;
	v2 =	vmax.f32 v2, $0.0e+00  }
0x2f: {  	v2 =	vmin.f32 v2, $2.250000000e+02;
	v3 =	vtrunc.f32 v1  }
0x30: {  	v3 =	vcvt.f32.s32 v3;
	v4 =	vtrunc.f32 v2  }
0x31: {  	v4 =	vcvt.f32.s32 v4  }
0x32: {  	v5 =	vcvt.s32.f32 v3;
	v3 =	vmul.u32 $0xE2, v3  }
0x33: {  	v6 =	vcvt.s32.f32 v4  }
0x34: {  	v1 =	vsub.f32 v5, v1;
	v3 =	vadd.s32 v4, v3  }
0x35: {  	v2 =	vsub.f32 v6, v2  }
0x36: {  	v1 =	vadd.f32 $1.000000000e+00, v1  }
.Ltmp0:
0x37: {  	v2 =	vadd.f32 $1.000000000e+00, v2;
	(pc) =	sbr.rel @p0 .LBB2_3-.Ltmp0, $4  }
0x38: {  	s23 =	sand.u32 $0x7F0, s20;
	s20 =	smov.u32 s22;
	[tilespmem:s13+$0x620] =	vst v1  }
0x39: {  	s13 =	sadd.s32 $0x10, s13;
	[tilespmem:s23+$0x1AA80] =	vst v2  }
0x3a: {  	v1 =	vld [tilespmem:s13+$0xFFFFF3C0];
	[tilespmem:s21+$0x0] =	vst v3;
	s21 =	smov.u32 s13  }
0x3b: {  	s22 =	sadd.s32 $0x10, s22;
	v2 =	vld [tilespmem:s13+$0xFFFFF9E0]  }
0x3c: {  	_ =	sdelay $0x2  }
0x3d: {  	v1 =	vadd.f32 $1.000000000e+00, v1  }
0x3e: {  	v2 =	vadd.f32 $1.000000000e+00, v2  }
0x3f: {  	v1 =	vmul.f32 $5.000000000e-01, v1  }
0x40: {  	v2 =	vmul.f32 $5.000000000e-01, v2  }
0x41: {  	v1 =	vmul.f32 $2.240000000e+02, v1  }
0x42: {  	v2 =	vmul.f32 $2.240000000e+02, v2  }
0x43: {  	v1 =	vadd.f32 $1.000000000e+00, v1  }
0x44: {  	v2 =	vadd.f32 $1.000000000e+00, v2  }
0x45: {  	v1 =	vmax.f32 v1, $0.0e+00  }
0x46: {  	v1 =	vmin.f32 v1, $2.250000000e+02;
	v2 =	vmax.f32 v2, $0.0e+00  }
0x47: {  	v2 =	vmin.f32 v2, $2.250000000e+02;
	v3 =	vtrunc.f32 v1  }
0x48: {  	v3 =	vcvt.f32.s32 v3;
	v4 =	vtrunc.f32 v2  }
0x49: {  	v4 =	vcvt.f32.s32 v4  }
0x4a: {  	v5 =	vcvt.s32.f32 v3  }
0x4b: {  	v6 =	vcvt.s32.f32 v4  }
0x4c: {  	v1 =	vsub.f32 v5, v1  }
0x4d: {  	v2 =	vsub.f32 v6, v2  }
0x4e: {  	v1 =	vadd.f32 $1.000000000e+00, v1  }
0x4f: {  	v3 =	vmul.u32 $0xE2, v3;
	v2 =	vadd.f32 $1.000000000e+00, v2  }
0x50: {  	s23 =	sand.u32 $0x7F0, s20;
	[tilespmem:s13+$0x620] =	vst v1  }
0x51: {  	v1 =	vadd.s32 v4, v3;
	[tilespmem:s23+$0x1AA80] =	vst v2  }
0x52: {  	s20 =	sadd.s32 s7, s12;
	[tilespmem:s21+$0x0] =	vst v1  }
0x53: {  	[hbm4b:s20+s4] =	stream.linear.scatter [tilespmem:s26], [sflag:$0x4], $0x620, $0x38;
	[tilespmem:$0x1D800] =	vst v63  }
0x54: {  	_ =	swait.ge [sflag:s19], $0x620  }
0x55: {  	[sflag:s19] =	ssyncset.done $0x0  }
0x56: {  	s21 =	sadd.s32 s9, s12;
	[sflag:s19] =	ssyncadd.s32 $0xFFFFF9E0  }
0x57: {  	[hbm4b:s21+s4] =	stream.linear.scatter [tilespmem:s28], [sflag:$0x4], $0x620, $0x38;
	[tilespmem:$0x1D800] =	vst v63  }
0x58: {  	s5 =	sadd.s32 $0x1, s5;
	_ =	swait.ge [sflag:s19], $0x620  }
0x59: {  	s22 =	sadd.s32 s10, s12;
	p0 =	sne.s32 s5, $0x4;
	[sflag:s19] =	ssyncset.done $0x0  }
.Ltmp1:
0x5a: {  	s23 =	simm.s32 $0x1AA80;
	[sflag:s19] =	ssyncadd.s32 $0xFFFFF9E0;
	(pc) =	sbr.rel @p0 .LBB2_2-.Ltmp1, $4  }
0x5b: {  	[hbm4b:s22+s4] =	stream.linear.scatter [tilespmem:s23], [sflag:$0x4], $0x620, $0x38;
	[tilespmem:$0x1D800] =	vst v63  }
0x5c: {  	_ =	swait.ge [sflag:s19], $0x620  }
0x5d: {  	[sflag:s19] =	ssyncset.done $0x0  }
0x5e: {  	[sflag:s19] =	ssyncadd.s32 $0xFFFFF9E0  }
0x5f: {  	[bflag:$0x0] =	sbarrier.arrive $0xFFFF;
	s20 =	simm.s32 $0x0;
	s21 =	simm.s32 $0x0  }
.LBB2_6:
0x60: {  	p0 =	seq.s32 s21, $0x0  }
0x61: {  	s5 =	simm.s32 @!p0 $0x3  }
0x62: {  	_ =	swait.ge @!p0 [sflag:s5], $0xC400  }
0x63: {  	[sflag:s5] =	ssyncset.done @!p0 $0x0  }
0x64: {  	[sflag:s5] =	ssyncadd.s32 @!p0 $0xFFFF3C00  }
0x65: {  	_ =	swait.ge @!p0 [sflag:s5], $0xC400  }
0x66: {  	[sflag:s5] =	ssyncset.done @!p0 $0x0;
	s13 =	rddreg [dreg:$0x6]  }
0x67: {  	s12 =	sshll.u32 s21, $0x4;
	s14 =	rddreg [dreg:$0x5];
	[sflag:s5] =	ssyncadd.s32 @!p0 $0xFFFF3C00  }
0x68: {  	[tilespmem:s18], [sflag:$0x1] =	stream.linear.gather [hbm4b:s13+s20], $0x700, $0x38;
	[tilespmem:$0x1D800] =	vst v63  }
0x69: {  	s15 =	rddreg [dreg:$0x7];
	s5 =	sadd.s32 s12, s14;
	s13 =	simm.s32 $0x19900  }
0x6a: {  	[tilespmem:s13], [sflag:$0x1] =	stream.linear.gather [hbm4b:s15+s20], $0x700, $0x38;
	[tilespmem:$0x1D800] =	vst v63  }
0x6b: {  	s22 =	simm.s32 $0x1A000;
	s24 =	smul.u32 $0xC400, s5  }
0x6c: {  	[tilespmem:s22], [sflag:$0x1] =	stream.linear.gather [hbm4b:s16+s20], $0x700, $0x38;
	[tilespmem:$0x1D800] =	vst v63  }
0x6d: {  	s22 =	sshrl.u32 s24, $0x3  }
0x6e: {  	s25 =	simm.s32 $0x1A700;
	s23 =	sadd.s32 s2, s22  }
0x6f: {  	[tilespmem:s25], [sflag:$0x1] =	stream.linear.gather [hbm4b:s23+s20], $0x700, $0x38;
	[tilespmem:$0x1D800] =	vst v63  }
0x70: {  	s25 =	sadd.s32 $0x62000, s24  }
0x71: {  	s28 =	simm.s32 $0x1AE00;
	s23 =	sshrl.u32 s25, $0x3  }
0x72: {  	s12 =	simm.s32 $0x100;
	s5 =	simm.s32 $0x0;
	s26 =	sadd.s32 s2, s23  }
0x73: {  	[tilespmem:s28], [sflag:$0x1] =	stream.linear.gather [hbm4b:s26+s20], $0x700, $0x38;
	[tilespmem:$0x1D800] =	vst v63  }
.LBB2_7:
0x74: {  	p0 =	sne.s32 s12, $0x32100;
	[tilespmem:s5+$0xC930] =	vst v0  }
0x75: {  	[tilespmem:s5+$0x0] =	vst v0  }
0x76: {  	[tilespmem:s5+$0xC900] =	vst v0  }
.Ltmp2:
0x77: {  	[tilespmem:s5+$0x10] =	vst v0;
	(pc) =	sbr.rel @p0 .LBB2_7-.Ltmp2, $4  }
0x78: {  	[tilespmem:s5+$0xC910] =	vst v0  }
0x79: {  	[tilespmem:s5+$0x20] =	vst v0  }
0x7a: {  	[tilespmem:s5+$0xC920] =	vst v0  }
0x7b: {  	[tilespmem:s5+$0x30] =	vst v0;
	s5 =	sshra.s32 s12, $0x2;
	s12 =	sadd.s32 $0x100, s12  }
0x7c: {  	[tilespmem:s5+$0xC930] =	vst v0  }
0x7d: {  	[tilespmem:s5+$0x0] =	vst v0  }
0x7e: {  	[tilespmem:s5+$0xC900] =	vst v0  }
0x7f: {  	[tilespmem:s5+$0x10] =	vst v0  }
0x80: {  	[tilespmem:s5+$0xC910] =	vst v0  }
0x81: {  	[tilespmem:s5+$0x20] =	vst v0  }
0x82: {  	[tilespmem:s5+$0xC920] =	vst v0  }
0x83: {  	s26 =	simm.s32 $0x0;
	[tilespmem:s5+$0x30] =	vst v0;
	s28 =	simm.s32 $0x0  }
.LBB2_9:
0x84: {  	_ =	swait.ge [sflag:s11], $0x700  }
0x85: {  	[sflag:s11] =	ssyncset.done $0x0  }
0x86: {  	[sflag:s11] =	ssyncadd.s32 $0xFFFFF900  }
0x87: {  	_ =	swait.ge [sflag:s11], $0x700  }
0x88: {  	[sflag:s11] =	ssyncset.done $0x0  }
0x89: {  	[sflag:s11] =	ssyncadd.s32 $0xFFFFF900  }
0x8a: {  	_ =	swait.ge [sflag:s11], $0x700  }
0x8b: {  	[sflag:s11] =	ssyncset.done $0x0  }
0x8c: {  	[sflag:s11] =	ssyncadd.s32 $0xFFFFF900  }
0x8d: {  	s5 =	smul.u32 $0xE00, s28;
	_ =	swait.ge [sflag:s11], $0x700  }
0x8e: {  	[sflag:s11] =	ssyncset.done $0x0  }
0x8f: {  	s12 =	sadd.s32 $0x700, s5;
	[sflag:s11] =	ssyncadd.s32 $0xFFFFF900  }
0x90: {  	s13 =	sadd.s32 s8, s12;
	_ =	swait.ge [sflag:s11], $0x700  }
0x91: {  	s13 =	sshrl.u32 s13, $0x3;
	[sflag:s11] =	ssyncset.done $0x0  }
0x92: {  	s14 =	sadd.s32 s7, s13;
	[sflag:s11] =	ssyncadd.s32 $0xFFFFF900  }
0x93: {  	[tilespmem:s29], [sflag:$0x2] =	stream.linear.gather [hbm4b:s14+s26], $0x700, $0x38;
	[tilespmem:$0x1D800] =	vst v63  }
0x94: {  	s15 =	sadd.s32 s9, s13  }
0x95: {  	[tilespmem:s30], [sflag:$0x2] =	stream.linear.gather [hbm4b:s15+s26], $0x700, $0x38;
	[tilespmem:$0x1D800] =	vst v63  }
0x96: {  	s13 =	sadd.s32 s10, s13;
	s15 =	sadd.s32 s24, s12  }
0x97: {  	[tilespmem:s31], [sflag:$0x2] =	stream.linear.gather [hbm4b:s13+s26], $0x700, $0x38;
	[tilespmem:$0x1D800] =	vst v63  }
0x98: {  	s12 =	sadd.s32 s25, s12;
	s13 =	sshrl.u32 s15, $0x3  }
0x99: {  	s12 =	sshrl.u32 s12, $0x3;
	s13 =	sadd.s32 s2, s13  }
0x9a: {  	[tilespmem:s1], [sflag:$0x2] =	stream.linear.gather [hbm4b:s13+s26], $0x700, $0x38;
	[tilespmem:$0x1D800] =	vst v63  }
0x9b: {  	s14 =	sand.u32 $0x7E0, s26;
	s12 =	sadd.s32 s2, s12  }
0x9c: {  	[tilespmem:s0], [sflag:$0x2] =	stream.linear.gather [hbm4b:s12+s26], $0x700, $0x38;
	[tilespmem:$0x1D800] =	vst v63  }
0x9d: {  	v1 =	vld [tilespmem:s14+$0x1A000]  }
0x9e: {  	s15 =	simm.s32 $0x19200;
	v2 =	vld [tilespmem:s14+$0x19900]  }
0x9f: {  	v3 =	vld [tilespmem:s15+$0x0];
	_ =	sdelay $0x1  }
0xa0: {  	v4 =	vld [tilespmem:s14+$0x1A700];
	_ =	sdelay $0x1  }
0xa1: {  	v5 =	vsub.f32 $1.000000000e+00, v1  }
0xa2: {  	v6 =	vsub.f32 $1.000000000e+00, v2;
	v7 =	vmul.f32 v1, v2;
	v8 =	vadd.s32 $0x1, v3  }
0xa3: {  	v9 =	vld [tilespmem:s14+$0x1AE00];
	v10 =	vadd.s32 $0xE2, v3;
	v2 =	vmul.f32 v5, v2  }
0xa4: {  	v11 =	vadd.s32 $0xE3, v3;
	v1 =	vmul.f32 v1, v6;
	v12 =	vmul.f32 v7, v4  }
0xa5: {  	v5 =	vmul.f32 v5, v6;
	v6 =	vmul.f32 v2, v4  }
0xa6: {  	v13 =	vmul.f32 v1, v4;
	[tilespmem:v3+s4+$0x0] =	vst.idx.add.f32.msk $0xffff, v12  }
0xa7: {  	v4 =	vmul.f32 v5, v4;
	[tilespmem:v8+s4+$0x0] =	vst.idx.add.f32.msk $0xffff, v6  }
0xa8: {  	v6 =	vmul.f32 v9, v7;
	[tilespmem:v10+s4+$0x0] =	vst.idx.add.f32.msk $0xffff, v13  }
0xa9: {  	v2 =	vmul.f32 v2, v9;
	[tilespmem:v11+s4+$0x0] =	vst.idx.add.f32.msk $0xffff, v4  }
0xaa: {  	v1 =	vmul.f32 v9, v1;
	[tilespmem:v3+s17+$0x0] =	vst.idx.add.f32.msk $0xffff, v6  }
0xab: {  	v3 =	vmul.f32 v5, v9;
	[tilespmem:v8+s17+$0x0] =	vst.idx.add.f32.msk $0xffff, v2  }
0xac: {  	[tilespmem:v10+s17+$0x0] =	vst.idx.add.f32.msk $0xffff, v1  }
0xad: {  	[tilespmem:v11+s17+$0x0] =	vst.idx.add.f32.msk $0xffff, v3  }
0xae: {  	v2 =	vld [tilespmem:s15+$0x10]  }
0xaf: {  	v3 =	vld [tilespmem:s15+$0xE10]  }
0xb0: {  	v1 =	vld [tilespmem:s15+$0x710];
	_ =	sdelay $0x1  }
0xb1: {  	s12 =	simm.s32 $0x19220;
	v4 =	vld [tilespmem:s15+$0x1510]  }
0xb2: {  	s14 =	simm.s32 $0x20;
	v14 =	vld [tilespmem:s12+$0x0]  }
0xb3: {  	v8 =	vld [tilespmem:s15+$0x1C10];
	s15 =	sand.u32 $0x7E0, s14;
	v5 =	vsub.f32 $1.000000000e+00, v3  }
0xb4: {  	v6 =	vld [tilespmem:s15+$0x1A000];
	v7 =	vsub.f32 $1.000000000e+00, v1;
	v55 =	vadd.s32 $0x1, v2;
	v56 =	vmul.f32 v3, v1  }
0xb5: {  	v57 =	vld [tilespmem:s15+$0x19900];
	v58 =	vadd.s32 $0xE2, v2;
	v59 =	vmul.f32 v5, v1  }
0xb6: {  	v16 =	vld [tilespmem:s15+$0x1A700];
	v1 =	vadd.s32 $0xE3, v2;
	v3 =	vmul.f32 v3, v7;
	v15 =	vmul.f32 v56, v4  }
0xb7: {  	v62 =	vld [tilespmem:s15+$0x1AE00];
	v17 =	vmul.f32 v5, v7;
	v5 =	vmul.f32 v59, v4  }
0xb8: {  	[tilespmem:v2+s4+$0x0] =	vst.idx.add.f32.msk $0xffff, v15;
	v7 =	vmul.f32 v3, v4  }
0xb9: {  	v18 =	vadd.s32 $0x1, v14;
	v60 =	vsub.f32 $1.000000000e+00, v6;
	v4 =	vmul.f32 v17, v4;
	[tilespmem:v55+s4+$0x0] =	vst.idx.add.f32.msk $0xffff, v5  }
0xba: {  	v61 =	vmul.f32 v6, v57;
	v5 =	vmul.f32 v8, v56;
	[tilespmem:v58+s4+$0x0] =	vst.idx.add.f32.msk $0xffff, v7;
	v7 =	vsub.f32 $1.000000000e+00, v57  }
0xbb: {  	v19 =	vadd.s32 $0xE2, v14;
	v11 =	vmul.f32 v60, v57;
	[tilespmem:v1+s4+$0x0] =	vst.idx.add.f32.msk $0xffff, v4;
	v4 =	vmul.f32 v59, v8  }
0xbc: {  	v20 =	vadd.s32 $0xE3, v14;
	v6 =	vmul.f32 v6, v7;
	[tilespmem:v2+s17+$0x0] =	vst.idx.add.f32.msk $0xffff, v5;
	v2 =	vmul.f32 v61, v16  }
0xbd: {  	v5 =	vmul.f32 v60, v7;
	v7 =	vmul.f32 v11, v16;
	[tilespmem:v55+s17+$0x0] =	vst.idx.add.f32.msk $0xffff, v4  }
0xbe: {  	v4 =	vmul.f32 v6, v16;
	[tilespmem:v14+s4+$0x0] =	vst.idx.add.f32.msk $0xffff, v2  }
0xbf: {  	v2 =	vmul.f32 v5, v16;
	[tilespmem:v18+s4+$0x0] =	vst.idx.add.f32.msk $0xffff, v7  }
0xc0: {  	[tilespmem:v19+s4+$0x0] =	vst.idx.add.f32.msk $0xffff, v4;
	v4 =	vmul.f32 v62, v61  }
0xc1: {  	v7 =	vmul.f32 v11, v62;
	[tilespmem:v20+s4+$0x0] =	vst.idx.add.f32.msk $0xffff, v2  }
0xc2: {  	v2 =	vmul.f32 v62, v6;
	[tilespmem:v14+s17+$0x0] =	vst.idx.add.f32.msk $0xffff, v4  }
0xc3: {  	v4 =	vmul.f32 v5, v62;
	[tilespmem:v18+s17+$0x0] =	vst.idx.add.f32.msk $0xffff, v7  }
0xc4: {  	[tilespmem:v19+s17+$0x0] =	vst.idx.add.f32.msk $0xffff, v2  }
0xc5: {  	[tilespmem:v20+s17+$0x0] =	vst.idx.add.f32.msk $0xffff, v4  }
0xc6: {  	v2 =	vld [tilespmem:s12+$0x10]  }
0xc7: {  	v63 =	vmul.f32 v8, v3;
	v6 =	vld [tilespmem:s12+$0xE10]  }
0xc8: {  	v7 =	vld [tilespmem:s12+$0x710]  }
0xc9: {  	[tilespmem:v58+s17+$0x0] =	vst.idx.add.f32.msk $0xffff, v63  }
0xca: {  	v4 =	vmul.f32 v17, v8;
	v5 =	vld [tilespmem:s12+$0x1510]  }
0xcb: {  	s13 =	simm.s32 $0x40;
	v3 =	vld [tilespmem:s12+$0x1C10]  }
.LBB2_10:
0xcc: {  	s14 =	sand.u32 $0x7E0, s13;
	p0 =	sne.s32 s13, $0x6E0;
	s13 =	sadd.s32 $0x20, s13;
	v8 =	vsub.f32 $1.000000000e+00, v6;
	[tilespmem:v1+s17+$0x0] =	vst.idx.add.f32.msk $0xffff, v4  }
0xcd: {  	v10 =	vadd.s32 $0x1, v2;
	s12 =	sadd.s32 $0x20, s12;
	v9 =	vld [tilespmem:s14+$0x1A000];
	v4 =	vsub.f32 $1.000000000e+00, v7;
	v11 =	vmul.f32 v6, v7  }
0xce: {  	v13 =	vadd.s32 $0xE2, v2;
	v12 =	vld [tilespmem:s14+$0x19900];
	v7 =	vmul.f32 v8, v7  }
0xcf: {  	v1 =	vadd.s32 $0xE3, v2;
	v14 =	vld [tilespmem:s12+$0x0];
	v6 =	vmul.f32 v6, v4;
	v15 =	vmul.f32 v11, v5  }
0xd0: {  	v4 =	vmul.f32 v8, v4;
	v16 =	vld [tilespmem:s14+$0x1A700];
	v8 =	vmul.f32 v7, v5  }
0xd1: {  	v11 =	vmul.f32 v3, v11;
	[tilespmem:v2+s4+$0x0] =	vst.idx.add.f32.msk $0xffff, v15;
	v15 =	vmul.f32 v6, v5  }
0xd2: {  	v7 =	vmul.f32 v7, v3;
	v5 =	vmul.f32 v4, v5;
	v17 =	vsub.f32 $1.000000000e+00, v9;
	[tilespmem:v10+s4+$0x0] =	vst.idx.add.f32.msk $0xffff, v8  }
0xd3: {  	v8 =	vsub.f32 $1.000000000e+00, v12;
	v18 =	vmul.f32 v9, v12;
	[tilespmem:v13+s4+$0x0] =	vst.idx.add.f32.msk $0xffff, v15;
	v15 =	vmul.f32 v3, v6  }
0xd4: {  	v4 =	vmul.f32 v4, v3;
	v6 =	vadd.s32 $0x1, v14;
	v12 =	vmul.f32 v17, v12;
	[tilespmem:v1+s4+$0x0] =	vst.idx.add.f32.msk $0xffff, v5  }
0xd5: {  	v5 =	vadd.s32 $0xE2, v14;
	v3 =	vld [tilespmem:s14+$0x1AE00];
	v9 =	vmul.f32 v9, v8;
	v8 =	vmul.f32 v17, v8  }
0xd6: {  	v17 =	vadd.s32 $0xE3, v14;
	v19 =	vmul.f32 v18, v16;
	v20 =	vmul.f32 v12, v16;
	[tilespmem:v2+s17+$0x0] =	vst.idx.add.f32.msk $0xffff, v11  }
0xd7: {  	v2 =	vmul.f32 v9, v16;
	v11 =	vmul.f32 v8, v16;
	[tilespmem:v10+s17+$0x0] =	vst.idx.add.f32.msk $0xffff, v7  }
0xd8: {  	[tilespmem:v14+s4+$0x0] =	vst.idx.add.f32.msk $0xffff, v19  }
0xd9: {  	[tilespmem:v6+s4+$0x0] =	vst.idx.add.f32.msk $0xffff, v20  }
0xda: {  	[tilespmem:v5+s4+$0x0] =	vst.idx.add.f32.msk $0xffff, v2;
	v2 =	vmul.f32 v3, v18;
	v7 =	vmul.f32 v12, v3  }
0xdb: {  	v9 =	vmul.f32 v3, v9;
	v3 =	vmul.f32 v8, v3;
	[tilespmem:v17+s4+$0x0] =	vst.idx.add.f32.msk $0xffff, v11  }
0xdc: {  	[tilespmem:v14+s17+$0x0] =	vst.idx.add.f32.msk $0xffff, v2  }
0xdd: {  	[tilespmem:v6+s17+$0x0] =	vst.idx.add.f32.msk $0xffff, v7  }
0xde: {  	[tilespmem:v5+s17+$0x0] =	vst.idx.add.f32.msk $0xffff, v9  }
0xdf: {  	[tilespmem:v17+s17+$0x0] =	vst.idx.add.f32.msk $0xffff, v3  }
0xe0: {  	v2 =	vld [tilespmem:s12+$0x10]  }
.Ltmp3:
0xe1: {  	v6 =	vld [tilespmem:s12+$0xE10];
	(pc) =	sbr.rel @p0 .LBB2_10-.Ltmp3, $4  }
0xe2: {  	v7 =	vld [tilespmem:s12+$0x710]  }
0xe3: {  	v3 =	vld [tilespmem:s12+$0x1C10]  }
0xe4: {  	v5 =	vld [tilespmem:s12+$0x1510]  }
0xe5: {  	[tilespmem:v13+s17+$0x0] =	vst.idx.add.f32.msk $0xffff, v15  }
0xe6: {  	v8 =	vsub.f32 $1.000000000e+00, v6  }
0xe7: {  	v10 =	vadd.s32 $0x1, v2;
	v9 =	vsub.f32 $1.000000000e+00, v7;
	v11 =	vmul.f32 v6, v7  }
0xe8: {  	v12 =	vadd.s32 $0xE2, v2;
	v7 =	vmul.f32 v8, v7  }
0xe9: {  	v13 =	vadd.s32 $0xE3, v2;
	v6 =	vmul.f32 v6, v9;
	v14 =	vmul.f32 v11, v5  }
0xea: {  	[tilespmem:v1+s17+$0x0] =	vst.idx.add.f32.msk $0xffff, v4;
	v1 =	vmul.f32 v8, v9;
	v4 =	vmul.f32 v7, v5  }
0xeb: {  	[tilespmem:v2+s4+$0x0] =	vst.idx.add.f32.msk $0xffff, v14;
	v8 =	vmul.f32 v6, v5  }
0xec: {  	[tilespmem:v10+s4+$0x0] =	vst.idx.add.f32.msk $0xffff, v4;
	v4 =	vmul.f32 v1, v5  }
0xed: {  	v5 =	vmul.f32 v3, v11;
	[tilespmem:v12+s4+$0x0] =	vst.idx.add.f32.msk $0xffff, v8  }
0xee: {  	v7 =	vmul.f32 v7, v3;
	[tilespmem:v13+s4+$0x0] =	vst.idx.add.f32.msk $0xffff, v4  }
0xef: {  	v4 =	vmul.f32 v3, v6;
	[tilespmem:v2+s17+$0x0] =	vst.idx.add.f32.msk $0xffff, v5  }
0xf0: {  	v1 =	vmul.f32 v1, v3;
	[tilespmem:v10+s17+$0x0] =	vst.idx.add.f32.msk $0xffff, v7  }
0xf1: {  	[tilespmem:v12+s17+$0x0] =	vst.idx.add.f32.msk $0xffff, v4  }
0xf2: {  	[tilespmem:v13+s17+$0x0] =	vst.idx.add.f32.msk $0xffff, v1  }
0xf3: {  	_ =	swait.ge [sflag:s3], $0x700  }
0xf4: {  	[sflag:s3] =	ssyncset.done $0x0  }
0xf5: {  	[sflag:s3] =	ssyncadd.s32 $0xFFFFF900  }
0xf6: {  	_ =	swait.ge [sflag:s3], $0x700  }
0xf7: {  	[sflag:s3] =	ssyncset.done $0x0  }
0xf8: {  	[sflag:s3] =	ssyncadd.s32 $0xFFFFF900  }
0xf9: {  	_ =	swait.ge [sflag:s3], $0x700  }
0xfa: {  	[sflag:s3] =	ssyncset.done $0x0  }
0xfb: {  	[sflag:s3] =	ssyncadd.s32 $0xFFFFF900  }
0xfc: {  	_ =	swait.ge [sflag:s3], $0x700  }
0xfd: {  	p0 =	seq.s32 s28, $0xD;
	[sflag:s3] =	ssyncset.done $0x0  }
0xfe: {  	s5 =	sadd.s32 @!p0 $0xE00, s5;
	[sflag:s3] =	ssyncadd.s32 $0xFFFFF900  }
0xff: {  	s12 =	sadd.s32 @!p0 s8, s5;
	_ =	swait.ge [sflag:s3], $0x700  }
0x100: {  	s14 =	simm.s32 @!p0 $0x0;
	s12 =	sshrl.u32 @!p0 s12, $0x3;
	[sflag:s3] =	ssyncset.done $0x0  }
0x101: {  	s15 =	simm.s32 @!p0 $0x19200;
	s13 =	sadd.s32 @!p0 s7, s12;
	[sflag:s3] =	ssyncadd.s32 $0xFFFFF900  }
0x102: {  	[tilespmem:s15], [sflag:$0x1] =	stream.linear.gather @!p0 [hbm4b:s13+s14], $0x700, $0x38;
	[tilespmem:$0x1D800] =	vst v63  }
0x103: {  	s13 =	sadd.s32 @!p0 s9, s12;
	s15 =	simm.s32 @!p0 $0x19900  }
0x104: {  	[tilespmem:s15], [sflag:$0x1] =	stream.linear.gather @!p0 [hbm4b:s13+s14], $0x700, $0x38;
	[tilespmem:$0x1D800] =	vst v63  }
0x105: {  	s12 =	sadd.s32 @!p0 s10, s12;
	s13 =	simm.s32 @!p0 $0x1A000  }
0x106: {  	[tilespmem:s13], [sflag:$0x1] =	stream.linear.gather @!p0 [hbm4b:s12+s14], $0x700, $0x38;
	[tilespmem:$0x1D800] =	vst v63  }
0x107: {  	s12 =	sadd.s32 @!p0 s24, s5  }
0x108: {  	s5 =	sadd.s32 @!p0 s25, s5;
	s12 =	sshrl.u32 @!p0 s12, $0x3  }
0x109: {  	s13 =	simm.s32 @!p0 $0x1A700;
	s5 =	sshrl.u32 @!p0 s5, $0x3;
	s12 =	sadd.s32 @!p0 s2, s12  }
0x10a: {  	[tilespmem:s13], [sflag:$0x1] =	stream.linear.gather @!p0 [hbm4b:s12+s14], $0x700, $0x38;
	[tilespmem:$0x1D800] =	vst v63  }
0x10b: {  	s5 =	sadd.s32 @!p0 s2, s5;
	s12 =	simm.s32 @!p0 $0x1AE00  }
0x10c: {  	[tilespmem:s12], [sflag:$0x1] =	stream.linear.gather @!p0 [hbm4b:s5+s14], $0x700, $0x38;
	[tilespmem:$0x1D800] =	vst v63  }
0x10d: {  	s13 =	simm.s32 $0x1B500;
	s12 =	simm.s32 $0x0  }
0x10e: {  	s5 =	sand.u32 $0x7E0, s12;
	v3 =	vld [tilespmem:s13+$0x0]  }
0x10f: {  	v1 =	vld [tilespmem:s5+$0x1C300]  }
0x110: {  	v2 =	vld [tilespmem:s5+$0x1BC00];
	_ =	sdelay $0x1  }
0x111: {  	v4 =	vld [tilespmem:s5+$0x1CA00];
	_ =	sdelay $0x1  }
0x112: {  	v5 =	vsub.f32 $1.000000000e+00, v1  }
0x113: {  	v8 =	vadd.s32 $0x1, v3;
	v6 =	vsub.f32 $1.000000000e+00, v2;
	v7 =	vmul.f32 v1, v2  }
0x114: {  	v49 =	vld [tilespmem:s5+$0x1D100];
	v50 =	vadd.s32 $0xE2, v3;
	v2 =	vmul.f32 v5, v2  }
0x115: {  	v51 =	vadd.s32 $0xE3, v3;
	v1 =	vmul.f32 v1, v6;
	v52 =	vmul.f32 v7, v4  }
0x116: {  	v5 =	vmul.f32 v5, v6;
	v6 =	vmul.f32 v2, v4  }
0x117: {  	v53 =	vmul.f32 v1, v4;
	[tilespmem:v3+s4+$0x0] =	vst.idx.add.f32.msk $0xffff, v52  }
0x118: {  	v4 =	vmul.f32 v5, v4;
	[tilespmem:v8+s4+$0x0] =	vst.idx.add.f32.msk $0xffff, v6  }
0x119: {  	v6 =	vmul.f32 v49, v7;
	[tilespmem:v50+s4+$0x0] =	vst.idx.add.f32.msk $0xffff, v53  }
0x11a: {  	v2 =	vmul.f32 v2, v49;
	[tilespmem:v51+s4+$0x0] =	vst.idx.add.f32.msk $0xffff, v4  }
0x11b: {  	v1 =	vmul.f32 v49, v1;
	[tilespmem:v3+s17+$0x0] =	vst.idx.add.f32.msk $0xffff, v6  }
0x11c: {  	v3 =	vmul.f32 v5, v49;
	[tilespmem:v8+s17+$0x0] =	vst.idx.add.f32.msk $0xffff, v2  }
0x11d: {  	[tilespmem:v50+s17+$0x0] =	vst.idx.add.f32.msk $0xffff, v1  }
0x11e: {  	[tilespmem:v51+s17+$0x0] =	vst.idx.add.f32.msk $0xffff, v3  }
0x11f: {  	v2 =	vld [tilespmem:s13+$0x10]  }
0x120: {  	v3 =	vld [tilespmem:s13+$0xE10]  }
0x121: {  	v1 =	vld [tilespmem:s13+$0x710]  }
0x122: {  	s14 =	simm.s32 $0x20  }
0x123: {  	s15 =	sand.u32 $0x7E0, s14;
	v4 =	vld [tilespmem:s13+$0x1510]  }
0x124: {  	s5 =	simm.s32 $0x1B520;
	v56 =	vld [tilespmem:s15+$0x1BC00]  }
0x125: {  	v59 =	vld [tilespmem:s5+$0x0];
	v5 =	vsub.f32 $1.000000000e+00, v3  }
0x126: {  	v6 =	vld [tilespmem:s15+$0x1C300];
	v7 =	vsub.f32 $1.000000000e+00, v1;
	v54 =	vadd.s32 $0x1, v2;
	v55 =	vmul.f32 v3, v1  }
0x127: {  	v8 =	vld [tilespmem:s13+$0x1C10];
	v57 =	vadd.s32 $0xE2, v2;
	v58 =	vmul.f32 v5, v1  }
0x128: {  	v16 =	vld [tilespmem:s15+$0x1CA00];
	v1 =	vadd.s32 $0xE3, v2;
	v3 =	vmul.f32 v3, v7;
	v15 =	vmul.f32 v55, v4  }
0x129: {  	v62 =	vld [tilespmem:s15+$0x1D100];
	v17 =	vmul.f32 v5, v7;
	v5 =	vmul.f32 v58, v4  }
0x12a: {  	[tilespmem:v2+s4+$0x0] =	vst.idx.add.f32.msk $0xffff, v15;
	v7 =	vmul.f32 v3, v4  }
0x12b: {  	v18 =	vadd.s32 $0x1, v59;
	v60 =	vsub.f32 $1.000000000e+00, v6;
	v4 =	vmul.f32 v17, v4;
	[tilespmem:v54+s4+$0x0] =	vst.idx.add.f32.msk $0xffff, v5  }
0x12c: {  	v61 =	vmul.f32 v6, v56;
	v5 =	vmul.f32 v8, v55;
	[tilespmem:v57+s4+$0x0] =	vst.idx.add.f32.msk $0xffff, v7;
	v7 =	vsub.f32 $1.000000000e+00, v56  }
0x12d: {  	v19 =	vadd.s32 $0xE2, v59;
	v11 =	vmul.f32 v60, v56;
	[tilespmem:v1+s4+$0x0] =	vst.idx.add.f32.msk $0xffff, v4;
	v4 =	vmul.f32 v58, v8  }
0x12e: {  	v20 =	vadd.s32 $0xE3, v59;
	v6 =	vmul.f32 v6, v7;
	[tilespmem:v2+s17+$0x0] =	vst.idx.add.f32.msk $0xffff, v5;
	v2 =	vmul.f32 v61, v16  }
0x12f: {  	v5 =	vmul.f32 v60, v7;
	v7 =	vmul.f32 v11, v16;
	[tilespmem:v54+s17+$0x0] =	vst.idx.add.f32.msk $0xffff, v4  }
0x130: {  	v4 =	vmul.f32 v6, v16;
	[tilespmem:v59+s4+$0x0] =	vst.idx.add.f32.msk $0xffff, v2  }
0x131: {  	v2 =	vmul.f32 v5, v16;
	[tilespmem:v18+s4+$0x0] =	vst.idx.add.f32.msk $0xffff, v7  }
0x132: {  	[tilespmem:v19+s4+$0x0] =	vst.idx.add.f32.msk $0xffff, v4;
	v4 =	vmul.f32 v62, v61  }
0x133: {  	v7 =	vmul.f32 v11, v62;
	[tilespmem:v20+s4+$0x0] =	vst.idx.add.f32.msk $0xffff, v2  }
0x134: {  	v2 =	vmul.f32 v62, v6;
	[tilespmem:v59+s17+$0x0] =	vst.idx.add.f32.msk $0xffff, v4  }
0x135: {  	v4 =	vmul.f32 v5, v62;
	[tilespmem:v18+s17+$0x0] =	vst.idx.add.f32.msk $0xffff, v7  }
0x136: {  	[tilespmem:v19+s17+$0x0] =	vst.idx.add.f32.msk $0xffff, v2  }
0x137: {  	[tilespmem:v20+s17+$0x0] =	vst.idx.add.f32.msk $0xffff, v4  }
0x138: {  	v2 =	vld [tilespmem:s5+$0x10]  }
0x139: {  	v63 =	vmul.f32 v8, v3;
	v6 =	vld [tilespmem:s5+$0xE10]  }
0x13a: {  	v7 =	vld [tilespmem:s5+$0x710]  }
0x13b: {  	[tilespmem:v57+s17+$0x0] =	vst.idx.add.f32.msk $0xffff, v63  }
0x13c: {  	v4 =	vmul.f32 v17, v8;
	v5 =	vld [tilespmem:s5+$0x1510]  }
0x13d: {  	s12 =	simm.s32 $0x40;
	v3 =	vld [tilespmem:s5+$0x1C10]  }
.LBB2_12:
0x13e: {  	s13 =	sand.u32 $0x7E0, s12;
	p0 =	sne.s32 s12, $0x6E0;
	s12 =	sadd.s32 $0x20, s12;
	v8 =	vsub.f32 $1.000000000e+00, v6;
	[tilespmem:v1+s17+$0x0] =	vst.idx.add.f32.msk $0xffff, v4  }
0x13f: {  	v10 =	vadd.s32 $0x1, v2;
	s5 =	sadd.s32 $0x20, s5;
	v9 =	vld [tilespmem:s13+$0x1C300];
	v4 =	vsub.f32 $1.000000000e+00, v7;
	v11 =	vmul.f32 v6, v7  }
0x140: {  	v13 =	vadd.s32 $0xE2, v2;
	v12 =	vld [tilespmem:s13+$0x1BC00];
	v7 =	vmul.f32 v8, v7  }
0x141: {  	v1 =	vadd.s32 $0xE3, v2;
	v14 =	vld [tilespmem:s5+$0x0];
	v6 =	vmul.f32 v6, v4;
	v15 =	vmul.f32 v11, v5  }
0x142: {  	v4 =	vmul.f32 v8, v4;
	v16 =	vld [tilespmem:s13+$0x1CA00];
	v8 =	vmul.f32 v7, v5  }
0x143: {  	v11 =	vmul.f32 v3, v11;
	[tilespmem:v2+s4+$0x0] =	vst.idx.add.f32.msk $0xffff, v15;
	v15 =	vmul.f32 v6, v5  }
0x144: {  	v7 =	vmul.f32 v7, v3;
	v5 =	vmul.f32 v4, v5;
	v17 =	vsub.f32 $1.000000000e+00, v9;
	[tilespmem:v10+s4+$0x0] =	vst.idx.add.f32.msk $0xffff, v8  }
0x145: {  	v8 =	vsub.f32 $1.000000000e+00, v12;
	v18 =	vmul.f32 v9, v12;
	[tilespmem:v13+s4+$0x0] =	vst.idx.add.f32.msk $0xffff, v15;
	v15 =	vmul.f32 v3, v6  }
0x146: {  	v4 =	vmul.f32 v4, v3;
	v6 =	vadd.s32 $0x1, v14;
	v12 =	vmul.f32 v17, v12;
	[tilespmem:v1+s4+$0x0] =	vst.idx.add.f32.msk $0xffff, v5  }
0x147: {  	v5 =	vadd.s32 $0xE2, v14;
	v3 =	vld [tilespmem:s13+$0x1D100];
	v9 =	vmul.f32 v9, v8;
	v8 =	vmul.f32 v17, v8  }
0x148: {  	v17 =	vadd.s32 $0xE3, v14;
	v19 =	vmul.f32 v18, v16;
	v20 =	vmul.f32 v12, v16;
	[tilespmem:v2+s17+$0x0] =	vst.idx.add.f32.msk $0xffff, v11  }
0x149: {  	v2 =	vmul.f32 v9, v16;
	v11 =	vmul.f32 v8, v16;
	[tilespmem:v10+s17+$0x0] =	vst.idx.add.f32.msk $0xffff, v7  }
0x14a: {  	[tilespmem:v14+s4+$0x0] =	vst.idx.add.f32.msk $0xffff, v19  }
0x14b: {  	[tilespmem:v6+s4+$0x0] =	vst.idx.add.f32.msk $0xffff, v20  }
0x14c: {  	[tilespmem:v5+s4+$0x0] =	vst.idx.add.f32.msk $0xffff, v2;
	v2 =	vmul.f32 v3, v18;
	v7 =	vmul.f32 v12, v3  }
0x14d: {  	v9 =	vmul.f32 v3, v9;
	v3 =	vmul.f32 v8, v3;
	[tilespmem:v17+s4+$0x0] =	vst.idx.add.f32.msk $0xffff, v11  }
0x14e: {  	[tilespmem:v14+s17+$0x0] =	vst.idx.add.f32.msk $0xffff, v2  }
0x14f: {  	[tilespmem:v6+s17+$0x0] =	vst.idx.add.f32.msk $0xffff, v7  }
0x150: {  	[tilespmem:v5+s17+$0x0] =	vst.idx.add.f32.msk $0xffff, v9  }
0x151: {  	[tilespmem:v17+s17+$0x0] =	vst.idx.add.f32.msk $0xffff, v3  }
0x152: {  	v2 =	vld [tilespmem:s5+$0x10]  }
.Ltmp4:
0x153: {  	v6 =	vld [tilespmem:s5+$0xE10];
	(pc) =	sbr.rel @p0 .LBB2_12-.Ltmp4, $4  }
0x154: {  	v7 =	vld [tilespmem:s5+$0x710]  }
0x155: {  	v3 =	vld [tilespmem:s5+$0x1C10]  }
0x156: {  	v5 =	vld [tilespmem:s5+$0x1510]  }
0x157: {  	[tilespmem:v13+s17+$0x0] =	vst.idx.add.f32.msk $0xffff, v15  }
0x158: {  	v8 =	vsub.f32 $1.000000000e+00, v6  }
0x159: {  	v10 =	vadd.s32 $0x1, v2;
	v9 =	vsub.f32 $1.000000000e+00, v7;
	v11 =	vmul.f32 v6, v7  }
0x15a: {  	v12 =	vadd.s32 $0xE2, v2;
	v57 =	vmul.f32 v8, v7  }
0x15b: {  	v13 =	vadd.s32 $0xE3, v2;
	v58 =	vmul.f32 v6, v9;
	v14 =	vmul.f32 v11, v5  }
0x15c: {  	[tilespmem:v1+s17+$0x0] =	vst.idx.add.f32.msk $0xffff, v4;
	v1 =	vmul.f32 v8, v9;
	v59 =	vmul.f32 v57, v5  }
0x15d: {  	[tilespmem:v2+s4+$0x0] =	vst.idx.add.f32.msk $0xffff, v14;
	v60 =	vmul.f32 v58, v5  }
0x15e: {  	s28 =	sadd.s32 $0x1, s28;
	v61 =	vmul.f32 v1, v5;
	[tilespmem:v10+s4+$0x0] =	vst.idx.add.f32.msk $0xffff, v59  }
0x15f: {  	p0 =	sne.s32 s28, $0xE;
	v62 =	vmul.f32 v3, v11;
	[tilespmem:v12+s4+$0x0] =	vst.idx.add.f32.msk $0xffff, v60  }
.Ltmp5:
0x160: {  	v7 =	vmul.f32 v57, v3;
	[tilespmem:v13+s4+$0x0] =	vst.idx.add.f32.msk $0xffff, v61;
	(pc) =	sbr.rel @p0 .LBB2_9-.Ltmp5, $4  }
0x161: {  	v63 =	vmul.f32 v3, v58;
	[tilespmem:v2+s17+$0x0] =	vst.idx.add.f32.msk $0xffff, v62  }
0x162: {  	v1 =	vmul.f32 v1, v3;
	[tilespmem:v10+s17+$0x0] =	vst.idx.add.f32.msk $0xffff, v7  }
0x163: {  	[tilespmem:v12+s17+$0x0] =	vst.idx.add.f32.msk $0xffff, v63  }
0x164: {  	[tilespmem:v13+s17+$0x0] =	vst.idx.add.f32.msk $0xffff, v1  }
0x165: {  	s5 =	simm.s32 $0xE3  }
0x166: {  	v1 =	vld [tilespmem:s5+$0x0];
	_ =	sdelay $0x3  }
0x167: {  	s12 =	simm.s32 $0xD0  }
0x168: {  	[tilespmem:s12+$0xFFFFFF30] =	vst v1  }
0x169: {  	v1 =	vld [tilespmem:s5+$0xC900];
	_ =	sdelay $0x4  }
0x16a: {  	[tilespmem:s12+$0xC830] =	vst v1  }
0x16b: {  	v1 =	vld [tilespmem:s5+$0x10];
	_ =	sdelay $0x4  }
0x16c: {  	[tilespmem:s12+$0xFFFFFF40] =	vst v1  }
0x16d: {  	v1 =	vld [tilespmem:s5+$0xC910];
	_ =	sdelay $0x4  }
0x16e: {  	[tilespmem:s12+$0xC840] =	vst v1  }
0x16f: {  	v1 =	vld [tilespmem:s5+$0x20];
	_ =	sdelay $0x4  }
0x170: {  	[tilespmem:s12+$0xFFFFFF50] =	vst v1  }
0x171: {  	v1 =	vld [tilespmem:s5+$0xC920];
	_ =	sdelay $0x4  }
0x172: {  	[tilespmem:s12+$0xC850] =	vst v1  }
0x173: {  	v1 =	vld [tilespmem:s5+$0x30];
	_ =	sdelay $0x4  }
0x174: {  	[tilespmem:s12+$0xFFFFFF60] =	vst v1  }
0x175: {  	v1 =	vld [tilespmem:s5+$0xC930];
	_ =	sdelay $0x4  }
0x176: {  	[tilespmem:s12+$0xC860] =	vst v1  }
0x177: {  	v1 =	vld [tilespmem:s5+$0x40];
	_ =	sdelay $0x4  }
0x178: {  	[tilespmem:s12+$0xFFFFFF70] =	vst v1  }
0x179: {  	v1 =	vld [tilespmem:s5+$0xC940];
	_ =	sdelay $0x4  }
0x17a: {  	[tilespmem:s12+$0xC870] =	vst v1  }
0x17b: {  	v1 =	vld [tilespmem:s5+$0x50];
	_ =	sdelay $0x4  }
0x17c: {  	[tilespmem:s12+$0xFFFFFF80] =	vst v1  }
0x17d: {  	v1 =	vld [tilespmem:s5+$0xC950];
	_ =	sdelay $0x4  }
0x17e: {  	[tilespmem:s12+$0xC880] =	vst v1  }
0x17f: {  	v1 =	vld [tilespmem:s5+$0x60];
	_ =	sdelay $0x4  }
0x180: {  	[tilespmem:s12+$0xFFFFFF90] =	vst v1  }
0x181: {  	v1 =	vld [tilespmem:s5+$0xC960];
	_ =	sdelay $0x4  }
0x182: {  	[tilespmem:s12+$0xC890] =	vst v1  }
0x183: {  	v1 =	vld [tilespmem:s5+$0x70];
	_ =	sdelay $0x4  }
0x184: {  	[tilespmem:s12+$0xFFFFFFA0] =	vst v1  }
0x185: {  	v1 =	vld [tilespmem:s5+$0xC970];
	_ =	sdelay $0x4  }
0x186: {  	[tilespmem:s12+$0xC8A0] =	vst v1  }
0x187: {  	v1 =	vld [tilespmem:s5+$0x80];
	_ =	sdelay $0x2  }
0x188: {  	s13 =	simm.s32 $0x0  }
0x189: {  	s13 =	sand.u32 $0xFFE0, s13  }
0x18a: {  	[tilespmem:s13+$0x80] =	vst v1  }
0x18b: {  	v1 =	vld [tilespmem:s5+$0xC980];
	_ =	sdelay $0x4  }
0x18c: {  	[tilespmem:s13+$0xC980] =	vst v1  }
0x18d: {  	v1 =	vld [tilespmem:s5+$0x90];
	_ =	sdelay $0x4  }
0x18e: {  	[tilespmem:s12+$0xFFFFFFC0] =	vst v1  }
0x18f: {  	v1 =	vld [tilespmem:s5+$0xC990];
	_ =	sdelay $0x4  }
0x190: {  	[tilespmem:s12+$0xC8C0] =	vst v1  }
0x191: {  	v1 =	vld [tilespmem:s5+$0xA0];
	_ =	sdelay $0x4  }
0x192: {  	[tilespmem:s12+$0xFFFFFFD0] =	vst v1  }
0x193: {  	v1 =	vld [tilespmem:s5+$0xC9A0];
	_ =	sdelay $0x4  }
0x194: {  	[tilespmem:s12+$0xC8D0] =	vst v1  }
0x195: {  	v1 =	vld [tilespmem:s5+$0xB0];
	_ =	sdelay $0x4  }
0x196: {  	[tilespmem:s12+$0xFFFFFFE0] =	vst v1  }
0x197: {  	v1 =	vld [tilespmem:s5+$0xC9B0];
	_ =	sdelay $0x4  }
0x198: {  	[tilespmem:s12+$0xC8E0] =	vst v1  }
0x199: {  	v1 =	vld [tilespmem:s5+$0xC0];
	_ =	sdelay $0x4  }
0x19a: {  	[tilespmem:s12+$0xFFFFFFF0] =	vst v1  }
0x19b: {  	v1 =	vld [tilespmem:s5+$0xC9C0];
	_ =	sdelay $0x4  }
0x19c: {  	[tilespmem:s12+$0xC8F0] =	vst v1  }
0x19d: {  	v1 =	vld [tilespmem:s5+$0xD0];
	_ =	sdelay $0x4  }
0x19e: {  	[tilespmem:s12+$0x0] =	vst v1  }
0x19f: {  	v1 =	vld [tilespmem:s5+$0xC9D0];
	_ =	sdelay $0x3  }
0x1a0: {  	s25 =	simm.s32 $0xE0;
	s26 =	simm.s32 $0x714  }
0x1a1: {  	s24 =	simm.s32 $0x1C5;
	s28 =	simm.s32 $0x1C0;
	s5 =	simm.s32 $0x340;
	[tilespmem:s12+$0xC900] =	vst v1  }
.LBB2_15:
0x1a2: {  	p0 =	sne.s32 s28, $0xC320;
	v1 =	vld [tilespmem:s24+$0x0];
	_ =	sdelay $0x2  }
0x1a3: {  	s5 =	sadd.s32 $0x380, s5  }
0x1a4: {  	s12 =	sshra.s32 s5, $0x2  }
0x1a5: {  	[tilespmem:s12+$0xFFFFFF30] =	vst v1  }
0x1a6: {  	v1 =	vld [tilespmem:s24+$0xC900];
	_ =	sdelay $0x4  }
0x1a7: {  	[tilespmem:s12+$0xC830] =	vst v1  }
0x1a8: {  	v1 =	vld [tilespmem:s24+$0x10];
	_ =	sdelay $0x4  }
0x1a9: {  	[tilespmem:s12+$0xFFFFFF40] =	vst v1  }
0x1aa: {  	v1 =	vld [tilespmem:s24+$0xC910];
	_ =	sdelay $0x4  }
0x1ab: {  	[tilespmem:s12+$0xC840] =	vst v1  }
0x1ac: {  	v1 =	vld [tilespmem:s24+$0x20];
	_ =	sdelay $0x4  }
0x1ad: {  	[tilespmem:s12+$0xFFFFFF50] =	vst v1  }
0x1ae: {  	v1 =	vld [tilespmem:s24+$0xC920];
	_ =	sdelay $0x4  }
0x1af: {  	[tilespmem:s12+$0xC850] =	vst v1  }
0x1b0: {  	v1 =	vld [tilespmem:s24+$0x30];
	_ =	sdelay $0x4  }
0x1b1: {  	[tilespmem:s12+$0xFFFFFF60] =	vst v1  }
0x1b2: {  	v1 =	vld [tilespmem:s24+$0xC930];
	_ =	sdelay $0x4  }
0x1b3: {  	[tilespmem:s12+$0xC860] =	vst v1  }
0x1b4: {  	v1 =	vld [tilespmem:s24+$0x40];
	_ =	sdelay $0x4  }
0x1b5: {  	[tilespmem:s12+$0xFFFFFF70] =	vst v1  }
0x1b6: {  	v1 =	vld [tilespmem:s24+$0xC940];
	_ =	sdelay $0x4  }
0x1b7: {  	[tilespmem:s12+$0xC870] =	vst v1  }
0x1b8: {  	v1 =	vld [tilespmem:s24+$0x50];
	_ =	sdelay $0x4  }
0x1b9: {  	[tilespmem:s12+$0xFFFFFF80] =	vst v1  }
0x1ba: {  	v1 =	vld [tilespmem:s24+$0xC950];
	_ =	sdelay $0x4  }
0x1bb: {  	[tilespmem:s12+$0xC880] =	vst v1  }
0x1bc: {  	v1 =	vld [tilespmem:s24+$0x60];
	_ =	sdelay $0x4  }
0x1bd: {  	[tilespmem:s12+$0xFFFFFF90] =	vst v1  }
0x1be: {  	v1 =	vld [tilespmem:s24+$0xC960];
	_ =	sdelay $0x4  }
0x1bf: {  	[tilespmem:s12+$0xC890] =	vst v1  }
0x1c0: {  	v1 =	vld [tilespmem:s24+$0x70];
	_ =	sdelay $0x4  }
0x1c1: {  	[tilespmem:s12+$0xFFFFFFA0] =	vst v1  }
0x1c2: {  	v1 =	vld [tilespmem:s24+$0xC970];
	_ =	sdelay $0x4  }
0x1c3: {  	[tilespmem:s12+$0xC8A0] =	vst v1  }
0x1c4: {  	v1 =	vld [tilespmem:s24+$0x80];
	_ =	sdelay $0x3  }
0x1c5: {  	s13 =	sand.u32 $0xFFE0, s25;
	s25 =	smov.u32 s28  }
0x1c6: {  	[tilespmem:s13+$0x80] =	vst v1  }
0x1c7: {  	v1 =	vld [tilespmem:s24+$0xC980];
	_ =	sdelay $0x4  }
0x1c8: {  	[tilespmem:s13+$0xC980] =	vst v1  }
0x1c9: {  	v1 =	vld [tilespmem:s24+$0x90];
	_ =	sdelay $0x4  }
0x1ca: {  	[tilespmem:s12+$0xFFFFFFC0] =	vst v1  }
0x1cb: {  	v1 =	vld [tilespmem:s24+$0xC990];
	_ =	sdelay $0x4  }
0x1cc: {  	[tilespmem:s12+$0xC8C0] =	vst v1  }
0x1cd: {  	v1 =	vld [tilespmem:s24+$0xA0];
	_ =	sdelay $0x4  }
0x1ce: {  	[tilespmem:s12+$0xFFFFFFD0] =	vst v1  }
0x1cf: {  	v1 =	vld [tilespmem:s24+$0xC9A0];
	_ =	sdelay $0x4  }
0x1d0: {  	[tilespmem:s12+$0xC8D0] =	vst v1  }
0x1d1: {  	v1 =	vld [tilespmem:s24+$0xB0];
	_ =	sdelay $0x4  }
0x1d2: {  	[tilespmem:s12+$0xFFFFFFE0] =	vst v1  }
0x1d3: {  	v1 =	vld [tilespmem:s24+$0xC9B0];
	_ =	sdelay $0x4  }
0x1d4: {  	[tilespmem:s12+$0xC8E0] =	vst v1  }
0x1d5: {  	v1 =	vld [tilespmem:s24+$0xC0];
	_ =	sdelay $0x4  }
0x1d6: {  	[tilespmem:s12+$0xFFFFFFF0] =	vst v1  }
0x1d7: {  	v1 =	vld [tilespmem:s24+$0xC9C0];
	_ =	sdelay $0x4  }
0x1d8: {  	[tilespmem:s12+$0xC8F0] =	vst v1  }
0x1d9: {  	v1 =	vld [tilespmem:s24+$0xD0];
	_ =	sdelay $0x4  }
0x1da: {  	[tilespmem:s12+$0x0] =	vst v1  }
0x1db: {  	v1 =	vld [tilespmem:s24+$0xC9D0]  }
.Ltmp6:
0x1dc: {  	(pc) =	sbr.rel @p0 .LBB2_15-.Ltmp6, $3  }
0x1dd: {  	_ =	sdelay $0x1  }
0x1de: {  	s26 =	sadd.s32 $0x388, s26  }
0x1df: {  	s28 =	sadd.s32 $0xE0, s28;
	s24 =	sshra.s32 s26, $0x2;
	[tilespmem:s12+$0xC900] =	vst v1  }
0x1e0: {  	v1 =	vld [tilespmem:s24+$0x0];
	_ =	sdelay $0x2  }
0x1e1: {  	s5 =	sadd.s32 $0x380, s5  }
0x1e2: {  	s5 =	sshra.s32 s5, $0x2  }
0x1e3: {  	[tilespmem:s5+$0xFFFFFF30] =	vst v1  }
0x1e4: {  	v1 =	vld [tilespmem:s24+$0xC900];
	_ =	sdelay $0x4  }
0x1e5: {  	[tilespmem:s5+$0xC830] =	vst v1  }
0x1e6: {  	v1 =	vld [tilespmem:s24+$0x10];
	_ =	sdelay $0x4  }
0x1e7: {  	[tilespmem:s5+$0xFFFFFF40] =	vst v1  }
0x1e8: {  	v1 =	vld [tilespmem:s24+$0xC910];
	_ =	sdelay $0x4  }
0x1e9: {  	[tilespmem:s5+$0xC840] =	vst v1  }
0x1ea: {  	v1 =	vld [tilespmem:s24+$0x20];
	_ =	sdelay $0x4  }
0x1eb: {  	[tilespmem:s5+$0xFFFFFF50] =	vst v1  }
0x1ec: {  	v1 =	vld [tilespmem:s24+$0xC920];
	_ =	sdelay $0x4  }
0x1ed: {  	[tilespmem:s5+$0xC850] =	vst v1  }
0x1ee: {  	v1 =	vld [tilespmem:s24+$0x30];
	_ =	sdelay $0x4  }
0x1ef: {  	[tilespmem:s5+$0xFFFFFF60] =	vst v1  }
0x1f0: {  	v1 =	vld [tilespmem:s24+$0xC930];
	_ =	sdelay $0x4  }
0x1f1: {  	[tilespmem:s5+$0xC860] =	vst v1  }
0x1f2: {  	v1 =	vld [tilespmem:s24+$0x40];
	_ =	sdelay $0x4  }
0x1f3: {  	[tilespmem:s5+$0xFFFFFF70] =	vst v1  }
0x1f4: {  	v1 =	vld [tilespmem:s24+$0xC940];
	_ =	sdelay $0x4  }
0x1f5: {  	[tilespmem:s5+$0xC870] =	vst v1  }
0x1f6: {  	v1 =	vld [tilespmem:s24+$0x50];
	_ =	sdelay $0x4  }
0x1f7: {  	[tilespmem:s5+$0xFFFFFF80] =	vst v1  }
0x1f8: {  	v1 =	vld [tilespmem:s24+$0xC950];
	_ =	sdelay $0x4  }
0x1f9: {  	[tilespmem:s5+$0xC880] =	vst v1  }
0x1fa: {  	v1 =	vld [tilespmem:s24+$0x60];
	_ =	sdelay $0x4  }
0x1fb: {  	[tilespmem:s5+$0xFFFFFF90] =	vst v1  }
0x1fc: {  	v1 =	vld [tilespmem:s24+$0xC960];
	_ =	sdelay $0x4  }
0x1fd: {  	[tilespmem:s5+$0xC890] =	vst v1  }
0x1fe: {  	v1 =	vld [tilespmem:s24+$0x70];
	_ =	sdelay $0x4  }
0x1ff: {  	[tilespmem:s5+$0xFFFFFFA0] =	vst v1  }
0x200: {  	v1 =	vld [tilespmem:s24+$0xC970];
	_ =	sdelay $0x4  }
0x201: {  	[tilespmem:s5+$0xC8A0] =	vst v1  }
0x202: {  	v1 =	vld [tilespmem:s24+$0x80];
	_ =	sdelay $0x3  }
0x203: {  	s12 =	sand.u32 $0xFFE0, s25  }
0x204: {  	[tilespmem:s12+$0x80] =	vst v1  }
0x205: {  	v1 =	vld [tilespmem:s24+$0xC980];
	_ =	sdelay $0x4  }
0x206: {  	[tilespmem:s12+$0xC980] =	vst v1  }
0x207: {  	v1 =	vld [tilespmem:s24+$0x90];
	_ =	sdelay $0x4  }
0x208: {  	[tilespmem:s5+$0xFFFFFFC0] =	vst v1  }
0x209: {  	v1 =	vld [tilespmem:s24+$0xC990];
	_ =	sdelay $0x4  }
0x20a: {  	[tilespmem:s5+$0xC8C0] =	vst v1  }
0x20b: {  	v1 =	vld [tilespmem:s24+$0xA0];
	_ =	sdelay $0x4  }
0x20c: {  	[tilespmem:s5+$0xFFFFFFD0] =	vst v1  }
0x20d: {  	v1 =	vld [tilespmem:s24+$0xC9A0];
	_ =	sdelay $0x4  }
0x20e: {  	[tilespmem:s5+$0xC8D0] =	vst v1  }
0x20f: {  	v1 =	vld [tilespmem:s24+$0xB0];
	_ =	sdelay $0x4  }
0x210: {  	[tilespmem:s5+$0xFFFFFFE0] =	vst v1  }
0x211: {  	v1 =	vld [tilespmem:s24+$0xC9B0];
	_ =	sdelay $0x4  }
0x212: {  	[tilespmem:s5+$0xC8E0] =	vst v1  }
0x213: {  	v1 =	vld [tilespmem:s24+$0xC0];
	_ =	sdelay $0x4  }
0x214: {  	[tilespmem:s5+$0xFFFFFFF0] =	vst v1  }
0x215: {  	v1 =	vld [tilespmem:s24+$0xC9C0];
	_ =	sdelay $0x4  }
0x216: {  	[tilespmem:s5+$0xC8F0] =	vst v1  }
0x217: {  	v1 =	vld [tilespmem:s24+$0xD0];
	_ =	sdelay $0x4  }
0x218: {  	[tilespmem:s5+$0x0] =	vst v1  }
0x219: {  	v1 =	vld [tilespmem:s24+$0xC9D0];
	_ =	sdelay $0x1  }
0x21a: {  	s21 =	sadd.s32 $0x1, s21  }
0x21b: {  	p0 =	sne.s32 s21, $0x6  }
.Ltmp7:
0x21c: {  	_ = 	snop;
	(pc) =	sbr.rel @p0 .LBB2_6-.Ltmp7, $4  }
0x21d: {  	s26 =	sadd.s32 s6, s22;
	[tilespmem:s5+$0xC900] =	vst v1  }
0x21e: {  	[hbm4b:s26+s4] =	stream.linear.scatter [tilespmem:s4], [sflag:$0x3], $0xC400, $0x38;
	[tilespmem:$0x1D800] =	vst v63  }
0x21f: {  	s28 =	sadd.s32 s6, s23  }
0x220: {  	[hbm4b:s28+s4] =	stream.linear.scatter [tilespmem:s17], [sflag:$0x3], $0xC400, $0x38;
	[tilespmem:$0x1D800] =	vst v63  }
0x221: {  	s12 =	simm.s32 $0x3  }
0x222: {  	_ =	swait.ge [sflag:s12], $0xC400  }
0x223: {  	[sflag:s12] =	ssyncset.done $0x0  }
0x224: {  	[sflag:s12] =	ssyncadd.s32 $0xFFFF3C00  }
0x225: {  	_ =	swait.ge [sflag:s12], $0xC400  }
0x226: {  	s13 =	rddreg [dreg:$0x9]  }
0x227: {  	s5 =	rddreg [dreg:$0x8];
	s13 =	sadd.s32 $0x1, s13  }
0x228: {  	p0 =	sne.s32 s13, s5  }
.Ltmp8:
0x229: {  	_ = 	snop;
	(pc) =	sbr.rel @p0 .LBB2_1-.Ltmp8, $4  }
0x22a: {  	_ = 	snop  }
0x22b: {  	[sflag:s12] =	ssyncset.done $0x0;
	s15 =	rddreg [dreg:$0x3]  }
0x22c: {  	s25 =	simm.s32 $0x19820;
	s24 =	rddreg [dreg:$0x4];
	[sflag:s12] =	ssyncadd.s32 $0xFFFF3C00  }
0x22d: {  	s26 =	simm.s32 $0x19E40;
	s28 =	simm.s32 $0x1A460;
	s14 =	rddreg [dreg:$0x1]  }
0x22e: {  	_ =	sfence.sel $0x180000  }
0x22f: {  	[bflag:$0x0] =	sbarrier.arrive $0xFFFF  }
0x230: {  	_ =	strace $0x90000047  }
0x231: {  	s0 =	stileid.u32;
	[bflag:$0x2] =	sbarrier.arrive $0xFFFF  }
0x232: {  	p0 =	sne.s32 s0, $0x0;
	s0 =	rddreg [dreg:$0x2]  }
0x233: {  	s0 =	sadd.s32 @!p0 $0x100000, s0  }
0x234: {  	[sflag:s0] =	ssyncadd.tile.s32 @!p0 $0x1;
	_ =	shalt  }
.Lfunc_end2:
_tile_overlayer_lowered:
.L_overlay_start_2:
0x235: {  	(tag) =	ssettag $0x2  }
0x236: {  	s0 =	rddreg [dreg:$0x0];
	s2 =	stileid.u32  }
0x237: {  	s1 =	rddreg [dreg:$0x1];
	p0 =	sne.s32 s2, $0x0  }
0x238: {  	s3 =	rddreg [dreg:$0x2];
	[bflag:$0x3] =	sbarrier.arrive $0xFFFF;
	s2 =	simm.s32 @!p0 $0x1C04  }
0x239: {  	[timem:s3], [sflag:s2] =	dma.local @!p0 [hbm:s0], s1  }
0x23a: {  	s0 =	simm.s32 @!p0 $0x4  }
0x23b: {  	_ =	swait.ge @!p0 [sflag:s0], s1  }
0x23c: {  	s1 =	ssub.s32 @!p0 $0x0, s1;
	[sflag:s0] =	ssyncset.done @!p0 $0x0  }
0x23d: {  	[sflag:s0] =	ssyncadd.s32 @!p0 s1  }
0x23e: {  	[bflag:$0x3] =	sbarrier.arrive $0xFFFF  }
0x23f: {  	_ =	shalt  }

</sc_bundles>
